<compile_context>
chip_gen: v7x
topology: tpu7x:2x2x1
jax: 0.10.2.dev20260603
libtpu: 0.0.44.dev20260713+nightly
codegen_flags: <defaults>
</compile_context>

<pallas_src>
import functools

import jax
import jax.numpy as jnp
from jax import lax
from jax.experimental import pallas as pl
from jax.experimental.pallas import tpu as pltpu
from jax.experimental.pallas import tpu_sc as plsc

_BATCH = 16384
_SEQ = 50
_DIM = 64
_WIDE = 2 * _DIM
_ROWS = 1000000
_NUM_IDX = _BATCH * _SEQ
_NC = 2
_NS = 16
_NW = _NC * _NS
_CHUNK = 400
_NBUF = 2
_TIN_B = 16384
_TOUT_B = 16384


def _transpose_table_tc(tbl_t):
    def body(x_ref, o_ref):
        o_ref[:, :_DIM] = x_ref[...].T

    return pl.pallas_call(
        body,
        grid=(pl.cdiv(_ROWS, _TIN_B),),
        in_specs=[pl.BlockSpec((_DIM, _TIN_B), lambda i: (0, i))],
        out_specs=pl.BlockSpec((_TIN_B, _WIDE), lambda i: (i, 0)),
        out_shape=jax.ShapeDtypeStruct((_ROWS, _WIDE), tbl_t.dtype),
        compiler_params=pltpu.CompilerParams(
            dimension_semantics=("arbitrary",)),
    )(tbl_t)


def _transpose_out_tc(x_wide, s_base, y_prev=None):
    n_seq = x_wide.shape[0] // _BATCH

    def body(x_ref, *rest):
        o_ref = rest[-1]
        o_ref[0] = x_ref[:, :_DIM].T

    operands = (x_wide,) if y_prev is None else (x_wide, y_prev)
    in_specs = [pl.BlockSpec((_TOUT_B, _WIDE), lambda s, i: (
        s * (_BATCH // _TOUT_B) + i, 0))]
    aliases = {}
    if y_prev is not None:
        in_specs.append(pl.BlockSpec(memory_space=pl.ANY))
        aliases = {1: 0}
    return pl.pallas_call(
        body,
        grid=(n_seq, _BATCH // _TOUT_B),
        in_specs=in_specs,
        out_specs=pl.BlockSpec((1, _DIM, _TOUT_B),
                               lambda s, i: (s + s_base, 0, i)),
        out_shape=jax.ShapeDtypeStruct((_SEQ, _DIM, _BATCH), x_wide.dtype),
        input_output_aliases=aliases,
        compiler_params=pltpu.CompilerParams(
            dimension_semantics=("arbitrary", "arbitrary")),
    )(*operands)


def _gather_sc(table, idx_flat):
    n_idx = idx_flat.shape[0]
    per_w = n_idx // _NW
    steps = per_w // _CHUNK
    assert steps % _NBUF == 0
    mesh = plsc.VectorSubcoreMesh(core_axis_name="c", subcore_axis_name="s")

    @functools.partial(
        pl.kernel,
        mesh=mesh,
        out_type=jax.ShapeDtypeStruct((n_idx, _WIDE), table.dtype),
        scratch_types=[
            pltpu.VMEM((per_w,), jnp.int32),
            [pltpu.VMEM((_CHUNK, _WIDE), table.dtype) for _ in range(_NBUF)],
            [pltpu.SemaphoreType.DMA for _ in range(_NBUF)],
            [pltpu.SemaphoreType.DMA for _ in range(_NBUF)],
        ],
        compiler_params=pltpu.CompilerParams(use_tc_tiling_on_sc=False),
    )
    def gather_kernel(table_hbm, idx_hbm, out_hbm, idx_all, rows, gsem, wsem):
        wid = lax.axis_index("s") * _NC + lax.axis_index("c")
        base = wid * per_w
        pltpu.sync_copy(idx_hbm.at[pl.ds(base, per_w)], idx_all)

        def start_gather(s, b):
            pltpu.async_copy(
                table_hbm.at[idx_all.at[pl.ds(s * _CHUNK, _CHUNK)]],
                rows[b], gsem[b])

        def wait_gather(s, b):
            pltpu.make_async_copy(
                table_hbm.at[idx_all.at[pl.ds(s * _CHUNK, _CHUNK)]],
                rows[b], gsem[b]).wait()

        def start_write(s, b):
            pltpu.async_copy(rows[b], out_hbm.at[pl.ds(base + s * _CHUNK,
                                                       _CHUNK)], wsem[b])

        def wait_write(s, b):
            pltpu.make_async_copy(rows[b],
                                  out_hbm.at[pl.ds(base + s * _CHUNK, _CHUNK)],
                                  wsem[b]).wait()

        for b in range(_NBUF):
            start_gather(b, b)

        @pl.loop(0, steps - _NBUF, step=_NBUF)
        def _(c):
            for b in range(_NBUF):
                s = c + b
                wait_gather(s, b)
                start_write(s, b)
                wait_write(s, b)
                start_gather(s + _NBUF, b)

        for b in range(_NBUF):
            s = steps - _NBUF + b
            wait_gather(s, b)
            start_write(s, b)
            wait_write(s, b)

    return gather_kernel(table, idx_flat)


def kernel(item_indices, item_embeddings):
    tbl_t = jnp.swapaxes(item_embeddings, 0, 1)
    table_wide = _transpose_table_tc(tbl_t)
    idx_sm = jnp.swapaxes(item_indices, 0, 1).reshape(_NUM_IDX)
    idx_sm = idx_sm.astype(jnp.int32)
    half = _NUM_IDX // 2
    x_a = _gather_sc(table_wide, idx_sm[:half])
    x_b = _gather_sc(table_wide, idx_sm[half:])
    y0 = _transpose_out_tc(x_a, 0)
    y = _transpose_out_tc(x_b, _SEQ // 2, y0)
    return jnp.transpose(y, (2, 0, 1))

# --- scband reference (transcript-rebuilt; emitter-appended) ---
"""Pipeline reference for scband-trainable-cfencoder-16724602651217 (READ-ONLY COPY).

The authoritative reference and input builder live on the scoring server;
editing this copy changes nothing except your own understanding.
"""

import jax, jax.numpy as jnp
import numpy as np

NUM_ITEMS = 1000000
CF_DIM = 64

def _xavier_uniform(key, shape, dtype=jnp.float32):
    fan_in, fan_out = shape[1], shape[0]
    limit = float(np.sqrt(6.0 / (fan_in + fan_out)))
    return jax.random.uniform(key, shape, dtype=dtype, minval=-limit, maxval=limit)

def setup_inputs(seed: int = 0) -> dict:
    key = jax.random.key(seed)
    k_idx, k_w = jax.random.split(key)
    item_indices = jax.random.randint(k_idx, (16384, 50), 0, NUM_ITEMS, dtype=jnp.int64 if jax.config.jax_enable_x64 else jnp.int32)
    item_embeddings = _xavier_uniform(k_w, (NUM_ITEMS, CF_DIM))
    return {"item_indices": item_indices, "item_embeddings": item_embeddings}

def reference(item_indices, item_embeddings):
    # nn.Embedding lookup: gather rows of the table by index
    return jnp.take(item_embeddings, item_indices, axis=0)

if __name__ == "__main__":
    import jax
    _d = setup_inputs()
    print(jax.jit(kernel)(*tuple(_d.values())))

</pallas_src>

<mosaic_0001>
#map = affine_map<(d0, d1) -> (0, 0)>
#map1 = affine_map<(d0, d1) -> (0)>
module attributes {stable_mosaic.version = 14 : i64} {
  func.func @gather_kernel(%arg0: i32, %arg1: i32, %arg2: memref<1000000x128xf32, #tpu.memory_space<hbm>>, %arg3: memref<409600xi32, #tpu.memory_space<hbm>>, %arg4: memref<409600x128xf32, #tpu.memory_space<hbm>>, %arg5: memref<12800xi32, #tpu.memory_space<vmem>>, %arg6: memref<400x128xf32, #tpu.memory_space<vmem>>, %arg7: memref<400x128xf32, #tpu.memory_space<vmem>>, %arg8: memref<!tpu.dma_semaphore, #tpu.memory_space<semaphore_mem>>, %arg9: memref<!tpu.dma_semaphore, #tpu.memory_space<semaphore_mem>>, %arg10: memref<!tpu.dma_semaphore, #tpu.memory_space<semaphore_mem>>, %arg11: memref<!tpu.dma_semaphore, #tpu.memory_space<semaphore_mem>>) attributes {dimension_semantics = [#tpu.dimension_semantics<core_parallel>, #tpu.dimension_semantics<subcore_parallel>], iteration_bounds = array<i64: 2, 16>, scalar_prefetch = 0 : i64, scratch_operands = 7 : i64, tpu.core_type = #tpu.core_type<sc_vector_subcore>, window_params = [{transform_indices = #map}, {transform_indices = #map1}, {transform_indices = #map}]} {
    %mul3A = arith.constant 2 : i32
    %mul3A_0 = arith.muli %arg1, %mul3A : i32
    %add3A = arith.addi %mul3A_0, %arg0 : i32
    %mul3A_1 = arith.constant 12800 : i32
    %mul3A_2 = arith.muli %add3A, %mul3A_1 : i32
    "tpu.region"() ({
      %run_scoped3A = tpu.sem_alloc : memref<!tpu.dma_semaphore, #tpu.memory_space<semaphore_mem>>
      %dma_start3A_49 = tpu.memref_slice %arg3[%mul3A_2] : memref<409600xi32, #tpu.memory_space<hbm>> -> memref<12800xi32, #tpu.memory_space<hbm>>
      %dma_start3A_50 = tpu.memref_slice %arg3[%mul3A_2] : memref<409600xi32, #tpu.memory_space<hbm>> -> memref<12800xi32, #tpu.memory_space<hbm>>
      tpu.enqueue_dma source(%dma_start3A_50 : memref<12800xi32, #tpu.memory_space<hbm>>) target(%arg5 : memref<12800xi32, #tpu.memory_space<vmem>>) target_semaphore(%run_scoped3A : memref<!tpu.dma_semaphore, #tpu.memory_space<semaphore_mem>>)
      %dma_wait3A_51 = tpu.memref_slice %arg3[%mul3A_2] : memref<409600xi32, #tpu.memory_space<hbm>> -> memref<12800xi32, #tpu.memory_space<hbm>>
      %dma_wait3A_52 = tpu.memref_slice %arg3[%mul3A_2] : memref<409600xi32, #tpu.memory_space<hbm>> -> memref<12800xi32, #tpu.memory_space<hbm>>
      tpu.wait_dma2 semaphore(%run_scoped3A : memref<!tpu.dma_semaphore, #tpu.memory_space<semaphore_mem>>) src(%dma_wait3A_52 : memref<12800xi32, #tpu.memory_space<hbm>>) dst(%arg5 : memref<12800xi32, #tpu.memory_space<vmem>>)
      tpu.yield
    }) : () -> ()
    %dma_start3A = arith.constant 0 : i32
    %dma_start3A_3 = tpu.memref_slice %arg5[%dma_start3A] : memref<12800xi32, #tpu.memory_space<vmem>> -> memref<400xi32, #tpu.memory_space<vmem>>
    %dma_start3A_4 = arith.constant 0 : i32
    %dma_start3A_5 = arith.constant 0 : i32
    %dma_start3A_6 = tpu.memref_slice %arg2[%dma_start3A_4, %dma_start3A_5] : memref<1000000x128xf32, #tpu.memory_space<hbm>> -> memref<1000000x128xf32, #tpu.memory_space<hbm>>
    tpu.enqueue_indirect_dma source(%dma_start3A_6 : memref<1000000x128xf32, #tpu.memory_space<hbm>>) target(%arg6 : memref<400x128xf32, #tpu.memory_space<vmem>>) offsets(%dma_start3A_3 : memref<400xi32, #tpu.memory_space<vmem>>) semaphore(%arg8 : memref<!tpu.dma_semaphore, #tpu.memory_space<semaphore_mem>>)
    %dma_start3A_7 = arith.constant 400 : i32
    %dma_start3A_8 = tpu.memref_slice %arg5[%dma_start3A_7] : memref<12800xi32, #tpu.memory_space<vmem>> -> memref<400xi32, #tpu.memory_space<vmem>>
    %dma_start3A_9 = arith.constant 0 : i32
    %dma_start3A_10 = arith.constant 0 : i32
    %dma_start3A_11 = tpu.memref_slice %arg2[%dma_start3A_9, %dma_start3A_10] : memref<1000000x128xf32, #tpu.memory_space<hbm>> -> memref<1000000x128xf32, #tpu.memory_space<hbm>>
    tpu.enqueue_indirect_dma source(%dma_start3A_11 : memref<1000000x128xf32, #tpu.memory_space<hbm>>) target(%arg7 : memref<400x128xf32, #tpu.memory_space<vmem>>) offsets(%dma_start3A_8 : memref<400xi32, #tpu.memory_space<vmem>>) semaphore(%arg9 : memref<!tpu.dma_semaphore, #tpu.memory_space<semaphore_mem>>)
    %scan3A = arith.constant 0 : i32
    %scan3A_12 = arith.constant 15 : i32
    %scan3A_13 = arith.addi %scan3A, %scan3A_12 : i32
    %scan3A_14 = arith.constant 1 : i32
    scf.for %scan3A_49 = %scan3A to %scan3A_13 step %scan3A_14  : i32 {
      %mul3A_50 = arith.constant 2 : i32
      %mul3A_51 = arith.muli %scan3A_49, %mul3A_50 : i32
      %add3A_52 = arith.constant 0 : i32
      %add3A_53 = arith.addi %add3A_52, %mul3A_51 : i32
      %add3A_54 = arith.constant 0 : i32
      %add3A_55 = arith.addi %add3A_53, %add3A_54 : i32
      %mul3A_56 = arith.constant 400 : i32
      %mul3A_57 = arith.muli %add3A_55, %mul3A_56 : i32
      %dma_wait3A_58 = tpu.memref_slice %arg5[%mul3A_57] : memref<12800xi32, #tpu.memory_space<vmem>> -> memref<400xi32, #tpu.memory_space<vmem>>
      %dma_wait3A_59 = arith.constant 0 : i32
      %dma_wait3A_60 = arith.constant 0 : i32
      %dma_wait3A_61 = tpu.memref_slice %arg2[%dma_wait3A_59, %dma_wait3A_60] : memref<1000000x128xf32, #tpu.memory_space<hbm>> -> memref<1000000x128xf32, #tpu.memory_space<hbm>>
      tpu.wait_indirect_dma semaphore(%arg8 : memref<!tpu.dma_semaphore, #tpu.memory_space<semaphore_mem>>) src(%dma_wait3A_61 : memref<1000000x128xf32, #tpu.memory_space<hbm>>) dst(%arg6 : memref<400x128xf32, #tpu.memory_space<vmem>>)
      %mul3A_62 = arith.constant 400 : i32
      %mul3A_63 = arith.muli %add3A_55, %mul3A_62 : i32
      %add3A_64 = arith.addi %mul3A_2, %mul3A_63 : i32
      %dma_start3A_65 = arith.constant 0 : i32
      %dma_start3A_66 = tpu.memref_slice %arg4[%add3A_64, %dma_start3A_65] : memref<409600x128xf32, #tpu.memory_space<hbm>> -> memref<400x128xf32, #tpu.memory_space<hbm>>
      %dma_start3A_67 = arith.constant 0 : i32
      %dma_start3A_68 = tpu.memref_slice %arg4[%add3A_64, %dma_start3A_67] : memref<409600x128xf32, #tpu.memory_space<hbm>> -> memref<400x128xf32, #tpu.memory_space<hbm>>
      tpu.enqueue_dma source(%arg6 : memref<400x128xf32, #tpu.memory_space<vmem>>) target(%dma_start3A_68 : memref<400x128xf32, #tpu.memory_space<hbm>>) target_semaphore(%arg10 : memref<!tpu.dma_semaphore, #tpu.memory_space<semaphore_mem>>)
      %mul3A_69 = arith.constant 400 : i32
      %mul3A_70 = arith.muli %add3A_55, %mul3A_69 : i32
      %add3A_71 = arith.addi %mul3A_2, %mul3A_70 : i32
      %dma_wait3A_72 = arith.constant 0 : i32
      %dma_wait3A_73 = tpu.memref_slice %arg4[%add3A_71, %dma_wait3A_72] : memref<409600x128xf32, #tpu.memory_space<hbm>> -> memref<400x128xf32, #tpu.memory_space<hbm>>
      %dma_wait3A_74 = arith.constant 0 : i32
      %dma_wait3A_75 = tpu.memref_slice %arg4[%add3A_71, %dma_wait3A_74] : memref<409600x128xf32, #tpu.memory_space<hbm>> -> memref<400x128xf32, #tpu.memory_space<hbm>>
      tpu.wait_dma2 semaphore(%arg10 : memref<!tpu.dma_semaphore, #tpu.memory_space<semaphore_mem>>) src(%arg6 : memref<400x128xf32, #tpu.memory_space<vmem>>) dst(%dma_wait3A_75 : memref<400x128xf32, #tpu.memory_space<hbm>>)
      %add3A_76 = arith.constant 2 : i32
      %add3A_77 = arith.addi %add3A_55, %add3A_76 : i32
      %mul3A_78 = arith.constant 400 : i32
      %mul3A_79 = arith.muli %add3A_77, %mul3A_78 : i32
      %dma_start3A_80 = tpu.memref_slice %arg5[%mul3A_79] : memref<12800xi32, #tpu.memory_space<vmem>> -> memref<400xi32, #tpu.memory_space<vmem>>
      %dma_start3A_81 = arith.constant 0 : i32
      %dma_start3A_82 = arith.constant 0 : i32
      %dma_start3A_83 = tpu.memref_slice %arg2[%dma_start3A_81, %dma_start3A_82] : memref<1000000x128xf32, #tpu.memory_space<hbm>> -> memref<1000000x128xf32, #tpu.memory_space<hbm>>
      tpu.enqueue_indirect_dma source(%dma_start3A_83 : memref<1000000x128xf32, #tpu.memory_space<hbm>>) target(%arg6 : memref<400x128xf32, #tpu.memory_space<vmem>>) offsets(%dma_start3A_80 : memref<400xi32, #tpu.memory_space<vmem>>) semaphore(%arg8 : memref<!tpu.dma_semaphore, #tpu.memory_space<semaphore_mem>>)
      %add3A_84 = arith.constant 1 : i32
      %add3A_85 = arith.addi %add3A_53, %add3A_84 : i32
      %mul3A_86 = arith.constant 400 : i32
      %mul3A_87 = arith.muli %add3A_85, %mul3A_86 : i32
      %dma_wait3A_88 = tpu.memref_slice %arg5[%mul3A_87] : memref<12800xi32, #tpu.memory_space<vmem>> -> memref<400xi32, #tpu.memory_space<vmem>>
      %dma_wait3A_89 = arith.constant 0 : i32
      %dma_wait3A_90 = arith.constant 0 : i32
      %dma_wait3A_91 = tpu.memref_slice %arg2[%dma_wait3A_89, %dma_wait3A_90] : memref<1000000x128xf32, #tpu.memory_space<hbm>> -> memref<1000000x128xf32, #tpu.memory_space<hbm>>
      tpu.wait_indirect_dma semaphore(%arg9 : memref<!tpu.dma_semaphore, #tpu.memory_space<semaphore_mem>>) src(%dma_wait3A_91 : memref<1000000x128xf32, #tpu.memory_space<hbm>>) dst(%arg7 : memref<400x128xf32, #tpu.memory_space<vmem>>)
      %mul3A_92 = arith.constant 400 : i32
      %mul3A_93 = arith.muli %add3A_85, %mul3A_92 : i32
      %add3A_94 = arith.addi %mul3A_2, %mul3A_93 : i32
      %dma_start3A_95 = arith.constant 0 : i32
      %dma_start3A_96 = tpu.memref_slice %arg4[%add3A_94, %dma_start3A_95] : memref<409600x128xf32, #tpu.memory_space<hbm>> -> memref<400x128xf32, #tpu.memory_space<hbm>>
      %dma_start3A_97 = arith.constant 0 : i32
      %dma_start3A_98 = tpu.memref_slice %arg4[%add3A_94, %dma_start3A_97] : memref<409600x128xf32, #tpu.memory_space<hbm>> -> memref<400x128xf32, #tpu.memory_space<hbm>>
      tpu.enqueue_dma source(%arg7 : memref<400x128xf32, #tpu.memory_space<vmem>>) target(%dma_start3A_98 : memref<400x128xf32, #tpu.memory_space<hbm>>) target_semaphore(%arg11 : memref<!tpu.dma_semaphore, #tpu.memory_space<semaphore_mem>>)
      %mul3A_99 = arith.constant 400 : i32
      %mul3A_100 = arith.muli %add3A_85, %mul3A_99 : i32
      %add3A_101 = arith.addi %mul3A_2, %mul3A_100 : i32
      %dma_wait3A_102 = arith.constant 0 : i32
      %dma_wait3A_103 = tpu.memref_slice %arg4[%add3A_101, %dma_wait3A_102] : memref<409600x128xf32, #tpu.memory_space<hbm>> -> memref<400x128xf32, #tpu.memory_space<hbm>>
      %dma_wait3A_104 = arith.constant 0 : i32
      %dma_wait3A_105 = tpu.memref_slice %arg4[%add3A_101, %dma_wait3A_104] : memref<409600x128xf32, #tpu.memory_space<hbm>> -> memref<400x128xf32, #tpu.memory_space<hbm>>
      tpu.wait_dma2 semaphore(%arg11 : memref<!tpu.dma_semaphore, #tpu.memory_space<semaphore_mem>>) src(%arg7 : memref<400x128xf32, #tpu.memory_space<vmem>>) dst(%dma_wait3A_105 : memref<400x128xf32, #tpu.memory_space<hbm>>)
      %add3A_106 = arith.constant 2 : i32
      %add3A_107 = arith.addi %add3A_85, %add3A_106 : i32
      %mul3A_108 = arith.constant 400 : i32
      %mul3A_109 = arith.muli %add3A_107, %mul3A_108 : i32
      %dma_start3A_110 = tpu.memref_slice %arg5[%mul3A_109] : memref<12800xi32, #tpu.memory_space<vmem>> -> memref<400xi32, #tpu.memory_space<vmem>>
      %dma_start3A_111 = arith.constant 0 : i32
      %dma_start3A_112 = arith.constant 0 : i32
      %dma_start3A_113 = tpu.memref_slice %arg2[%dma_start3A_111, %dma_start3A_112] : memref<1000000x128xf32, #tpu.memory_space<hbm>> -> memref<1000000x128xf32, #tpu.memory_space<hbm>>
      tpu.enqueue_indirect_dma source(%dma_start3A_113 : memref<1000000x128xf32, #tpu.memory_space<hbm>>) target(%arg7 : memref<400x128xf32, #tpu.memory_space<vmem>>) offsets(%dma_start3A_110 : memref<400xi32, #tpu.memory_space<vmem>>) semaphore(%arg9 : memref<!tpu.dma_semaphore, #tpu.memory_space<semaphore_mem>>)
    }
    %scan3A_15 = arith.constant 15 : i32
    %dma_wait3A = arith.constant 12000 : i32
    %dma_wait3A_16 = tpu.memref_slice %arg5[%dma_wait3A] : memref<12800xi32, #tpu.memory_space<vmem>> -> memref<400xi32, #tpu.memory_space<vmem>>
    %dma_wait3A_17 = arith.constant 0 : i32
    %dma_wait3A_18 = arith.constant 0 : i32
    %dma_wait3A_19 = tpu.memref_slice %arg2[%dma_wait3A_17, %dma_wait3A_18] : memref<1000000x128xf32, #tpu.memory_space<hbm>> -> memref<1000000x128xf32, #tpu.memory_space<hbm>>
    tpu.wait_indirect_dma semaphore(%arg8 : memref<!tpu.dma_semaphore, #tpu.memory_space<semaphore_mem>>) src(%dma_wait3A_19 : memref<1000000x128xf32, #tpu.memory_space<hbm>>) dst(%arg6 : memref<400x128xf32, #tpu.memory_space<vmem>>)
    %add3A_20 = arith.constant 12000 : i32
    %add3A_21 = arith.addi %mul3A_2, %add3A_20 : i32
    %dma_start3A_22 = arith.constant 0 : i32
    %dma_start3A_23 = tpu.memref_slice %arg4[%add3A_21, %dma_start3A_22] : memref<409600x128xf32, #tpu.memory_space<hbm>> -> memref<400x128xf32, #tpu.memory_space<hbm>>
    %dma_start3A_24 = arith.constant 0 : i32
    %dma_start3A_25 = tpu.memref_slice %arg4[%add3A_21, %dma_start3A_24] : memref<409600x128xf32, #tpu.memory_space<hbm>> -> memref<400x128xf32, #tpu.memory_space<hbm>>
    tpu.enqueue_dma source(%arg6 : memref<400x128xf32, #tpu.memory_space<vmem>>) target(%dma_start3A_25 : memref<400x128xf32, #tpu.memory_space<hbm>>) target_semaphore(%arg10 : memref<!tpu.dma_semaphore, #tpu.memory_space<semaphore_mem>>)
    %add3A_26 = arith.constant 12000 : i32
    %add3A_27 = arith.addi %mul3A_2, %add3A_26 : i32
    %dma_wait3A_28 = arith.constant 0 : i32
    %dma_wait3A_29 = tpu.memref_slice %arg4[%add3A_27, %dma_wait3A_28] : memref<409600x128xf32, #tpu.memory_space<hbm>> -> memref<400x128xf32, #tpu.memory_space<hbm>>
    %dma_wait3A_30 = arith.constant 0 : i32
    %dma_wait3A_31 = tpu.memref_slice %arg4[%add3A_27, %dma_wait3A_30] : memref<409600x128xf32, #tpu.memory_space<hbm>> -> memref<400x128xf32, #tpu.memory_space<hbm>>
    tpu.wait_dma2 semaphore(%arg10 : memref<!tpu.dma_semaphore, #tpu.memory_space<semaphore_mem>>) src(%arg6 : memref<400x128xf32, #tpu.memory_space<vmem>>) dst(%dma_wait3A_31 : memref<400x128xf32, #tpu.memory_space<hbm>>)
    %dma_wait3A_32 = arith.constant 12400 : i32
    %dma_wait3A_33 = tpu.memref_slice %arg5[%dma_wait3A_32] : memref<12800xi32, #tpu.memory_space<vmem>> -> memref<400xi32, #tpu.memory_space<vmem>>
    %dma_wait3A_34 = arith.constant 0 : i32
    %dma_wait3A_35 = arith.constant 0 : i32
    %dma_wait3A_36 = tpu.memref_slice %arg2[%dma_wait3A_34, %dma_wait3A_35] : memref<1000000x128xf32, #tpu.memory_space<hbm>> -> memref<1000000x128xf32, #tpu.memory_space<hbm>>
    tpu.wait_indirect_dma semaphore(%arg9 : memref<!tpu.dma_semaphore, #tpu.memory_space<semaphore_mem>>) src(%dma_wait3A_36 : memref<1000000x128xf32, #tpu.memory_space<hbm>>) dst(%arg7 : memref<400x128xf32, #tpu.memory_space<vmem>>)
    %add3A_37 = arith.constant 12400 : i32
    %add3A_38 = arith.addi %mul3A_2, %add3A_37 : i32
    %dma_start3A_39 = arith.constant 0 : i32
    %dma_start3A_40 = tpu.memref_slice %arg4[%add3A_38, %dma_start3A_39] : memref<409600x128xf32, #tpu.memory_space<hbm>> -> memref<400x128xf32, #tpu.memory_space<hbm>>
    %dma_start3A_41 = arith.constant 0 : i32
    %dma_start3A_42 = tpu.memref_slice %arg4[%add3A_38, %dma_start3A_41] : memref<409600x128xf32, #tpu.memory_space<hbm>> -> memref<400x128xf32, #tpu.memory_space<hbm>>
    tpu.enqueue_dma source(%arg7 : memref<400x128xf32, #tpu.memory_space<vmem>>) target(%dma_start3A_42 : memref<400x128xf32, #tpu.memory_space<hbm>>) target_semaphore(%arg11 : memref<!tpu.dma_semaphore, #tpu.memory_space<semaphore_mem>>)
    %add3A_43 = arith.constant 12400 : i32
    %add3A_44 = arith.addi %mul3A_2, %add3A_43 : i32
    %dma_wait3A_45 = arith.constant 0 : i32
    %dma_wait3A_46 = tpu.memref_slice %arg4[%add3A_44, %dma_wait3A_45] : memref<409600x128xf32, #tpu.memory_space<hbm>> -> memref<400x128xf32, #tpu.memory_space<hbm>>
    %dma_wait3A_47 = arith.constant 0 : i32
    %dma_wait3A_48 = tpu.memref_slice %arg4[%add3A_44, %dma_wait3A_47] : memref<409600x128xf32, #tpu.memory_space<hbm>> -> memref<400x128xf32, #tpu.memory_space<hbm>>
    tpu.wait_dma2 semaphore(%arg11 : memref<!tpu.dma_semaphore, #tpu.memory_space<semaphore_mem>>) src(%arg7 : memref<400x128xf32, #tpu.memory_space<vmem>>) dst(%dma_wait3A_48 : memref<400x128xf32, #tpu.memory_space<hbm>>)
    return
  }
}

#map = affine_map<(d0, d1) -> (0, 0)>
#map1 = affine_map<(d0, d1) -> (0)>
module attributes {stable_mosaic.version = 14 : i64} {
  func.func @gather_kernel(%arg0: i32, %arg1: i32, %arg2: memref<1000000x128xf32, #tpu.memory_space<hbm>>, %arg3: memref<409600xi32, #tpu.memory_space<hbm>>, %arg4: memref<409600x128xf32, #tpu.memory_space<hbm>>, %arg5: memref<12800xi32, #tpu.memory_space<vmem>>, %arg6: memref<400x128xf32, #tpu.memory_space<vmem>>, %arg7: memref<400x128xf32, #tpu.memory_space<vmem>>, %arg8: memref<!tpu.dma_semaphore, #tpu.memory_space<semaphore_mem>>, %arg9: memref<!tpu.dma_semaphore, #tpu.memory_space<semaphore_mem>>, %arg10: memref<!tpu.dma_semaphore, #tpu.memory_space<semaphore_mem>>, %arg11: memref<!tpu.dma_semaphore, #tpu.memory_space<semaphore_mem>>) attributes {dimension_semantics = [#tpu.dimension_semantics<core_parallel>, #tpu.dimension_semantics<subcore_parallel>], iteration_bounds = array<i64: 2, 16>, scalar_prefetch = 0 : i64, scratch_operands = 7 : i64, tpu.core_type = #tpu.core_type<sc_vector_subcore>, window_params = [{transform_indices = #map}, {transform_indices = #map1}, {transform_indices = #map}]} {
    %mul3A = arith.constant 2 : i32
    %mul3A_0 = arith.muli %arg1, %mul3A : i32
    %add3A = arith.addi %mul3A_0, %arg0 : i32
    %mul3A_1 = arith.constant 12800 : i32
    %mul3A_2 = arith.muli %add3A, %mul3A_1 : i32
    "tpu.region"() ({
      %run_scoped3A = tpu.sem_alloc : memref<!tpu.dma_semaphore, #tpu.memory_space<semaphore_mem>>
      %dma_start3A_49 = tpu.memref_slice %arg3[%mul3A_2] : memref<409600xi32, #tpu.memory_space<hbm>> -> memref<12800xi32, #tpu.memory_space<hbm>>
      %dma_start3A_50 = tpu.memref_slice %arg3[%mul3A_2] : memref<409600xi32, #tpu.memory_space<hbm>> -> memref<12800xi32, #tpu.memory_space<hbm>>
      tpu.enqueue_dma source(%dma_start3A_50 : memref<12800xi32, #tpu.memory_space<hbm>>) target(%arg5 : memref<12800xi32, #tpu.memory_space<vmem>>) target_semaphore(%run_scoped3A : memref<!tpu.dma_semaphore, #tpu.memory_space<semaphore_mem>>)
      %dma_wait3A_51 = tpu.memref_slice %arg3[%mul3A_2] : memref<409600xi32, #tpu.memory_space<hbm>> -> memref<12800xi32, #tpu.memory_space<hbm>>
      %dma_wait3A_52 = tpu.memref_slice %arg3[%mul3A_2] : memref<409600xi32, #tpu.memory_space<hbm>> -> memref<12800xi32, #tpu.memory_space<hbm>>
      tpu.wait_dma2 semaphore(%run_scoped3A : memref<!tpu.dma_semaphore, #tpu.memory_space<semaphore_mem>>) src(%dma_wait3A_52 : memref<12800xi32, #tpu.memory_space<hbm>>) dst(%arg5 : memref<12800xi32, #tpu.memory_space<vmem>>)
      tpu.yield
    }) : () -> ()
    %dma_start3A = arith.constant 0 : i32
    %dma_start3A_3 = tpu.memref_slice %arg5[%dma_start3A] : memref<12800xi32, #tpu.memory_space<vmem>> -> memref<400xi32, #tpu.memory_space<vmem>>
    %dma_start3A_4 = arith.constant 0 : i32
    %dma_start3A_5 = arith.constant 0 : i32
    %dma_start3A_6 = tpu.memref_slice %arg2[%dma_start3A_4, %dma_start3A_5] : memref<1000000x128xf32, #tpu.memory_space<hbm>> -> memref<1000000x128xf32, #tpu.memory_space<hbm>>
    tpu.enqueue_indirect_dma source(%dma_start3A_6 : memref<1000000x128xf32, #tpu.memory_space<hbm>>) target(%arg6 : memref<400x128xf32, #tpu.memory_space<vmem>>) offsets(%dma_start3A_3 : memref<400xi32, #tpu.memory_space<vmem>>) semaphore(%arg8 : memref<!tpu.dma_semaphore, #tpu.memory_space<semaphore_mem>>)
    %dma_start3A_7 = arith.constant 400 : i32
    %dma_start3A_8 = tpu.memref_slice %arg5[%dma_start3A_7] : memref<12800xi32, #tpu.memory_space<vmem>> -> memref<400xi32, #tpu.memory_space<vmem>>
    %dma_start3A_9 = arith.constant 0 : i32
    %dma_start3A_10 = arith.constant 0 : i32
    %dma_start3A_11 = tpu.memref_slice %arg2[%dma_start3A_9, %dma_start3A_10] : memref<1000000x128xf32, #tpu.memory_space<hbm>> -> memref<1000000x128xf32, #tpu.memory_space<hbm>>
    tpu.enqueue_indirect_dma source(%dma_start3A_11 : memref<1000000x128xf32, #tpu.memory_space<hbm>>) target(%arg7 : memref<400x128xf32, #tpu.memory_space<vmem>>) offsets(%dma_start3A_8 : memref<400xi32, #tpu.memory_space<vmem>>) semaphore(%arg9 : memref<!tpu.dma_semaphore, #tpu.memory_space<semaphore_mem>>)
    %scan3A = arith.constant 0 : i32
    %scan3A_12 = arith.constant 15 : i32
    %scan3A_13 = arith.addi %scan3A, %scan3A_12 : i32
    %scan3A_14 = arith.constant 1 : i32
    scf.for %scan3A_49 = %scan3A to %scan3A_13 step %scan3A_14  : i32 {
      %mul3A_50 = arith.constant 2 : i32
      %mul3A_51 = arith.muli %scan3A_49, %mul3A_50 : i32
      %add3A_52 = arith.constant 0 : i32
      %add3A_53 = arith.addi %add3A_52, %mul3A_51 : i32
      %add3A_54 = arith.constant 0 : i32
      %add3A_55 = arith.addi %add3A_53, %add3A_54 : i32
      %mul3A_56 = arith.constant 400 : i32
      %mul3A_57 = arith.muli %add3A_55, %mul3A_56 : i32
      %dma_wait3A_58 = tpu.memref_slice %arg5[%mul3A_57] : memref<12800xi32, #tpu.memory_space<vmem>> -> memref<400xi32, #tpu.memory_space<vmem>>
      %dma_wait3A_59 = arith.constant 0 : i32
      %dma_wait3A_60 = arith.constant 0 : i32
      %dma_wait3A_61 = tpu.memref_slice %arg2[%dma_wait3A_59, %dma_wait3A_60] : memref<1000000x128xf32, #tpu.memory_space<hbm>> -> memref<1000000x128xf32, #tpu.memory_space<hbm>>
      tpu.wait_indirect_dma semaphore(%arg8 : memref<!tpu.dma_semaphore, #tpu.memory_space<semaphore_mem>>) src(%dma_wait3A_61 : memref<1000000x128xf32, #tpu.memory_space<hbm>>) dst(%arg6 : memref<400x128xf32, #tpu.memory_space<vmem>>)
      %mul3A_62 = arith.constant 400 : i32
      %mul3A_63 = arith.muli %add3A_55, %mul3A_62 : i32
      %add3A_64 = arith.addi %mul3A_2, %mul3A_63 : i32
      %dma_start3A_65 = arith.constant 0 : i32
      %dma_start3A_66 = tpu.memref_slice %arg4[%add3A_64, %dma_start3A_65] : memref<409600x128xf32, #tpu.memory_space<hbm>> -> memref<400x128xf32, #tpu.memory_space<hbm>>
      %dma_start3A_67 = arith.constant 0 : i32
      %dma_start3A_68 = tpu.memref_slice %arg4[%add3A_64, %dma_start3A_67] : memref<409600x128xf32, #tpu.memory_space<hbm>> -> memref<400x128xf32, #tpu.memory_space<hbm>>
      tpu.enqueue_dma source(%arg6 : memref<400x128xf32, #tpu.memory_space<vmem>>) target(%dma_start3A_68 : memref<400x128xf32, #tpu.memory_space<hbm>>) target_semaphore(%arg10 : memref<!tpu.dma_semaphore, #tpu.memory_space<semaphore_mem>>)
      %mul3A_69 = arith.constant 400 : i32
      %mul3A_70 = arith.muli %add3A_55, %mul3A_69 : i32
      %add3A_71 = arith.addi %mul3A_2, %mul3A_70 : i32
      %dma_wait3A_72 = arith.constant 0 : i32
      %dma_wait3A_73 = tpu.memref_slice %arg4[%add3A_71, %dma_wait3A_72] : memref<409600x128xf32, #tpu.memory_space<hbm>> -> memref<400x128xf32, #tpu.memory_space<hbm>>
      %dma_wait3A_74 = arith.constant 0 : i32
      %dma_wait3A_75 = tpu.memref_slice %arg4[%add3A_71, %dma_wait3A_74] : memref<409600x128xf32, #tpu.memory_space<hbm>> -> memref<400x128xf32, #tpu.memory_space<hbm>>
      tpu.wait_dma2 semaphore(%arg10 : memref<!tpu.dma_semaphore, #tpu.memory_space<semaphore_mem>>) src(%arg6 : memref<400x128xf32, #tpu.memory_space<vmem>>) dst(%dma_wait3A_75 : memref<400x128xf32, #tpu.memory_space<hbm>>)
      %add3A_76 = arith.constant 2 : i32
      %add3A_77 = arith.addi %add3A_55, %add3A_76 : i32
      %mul3A_78 = arith.constant 400 : i32
      %mul3A_79 = arith.muli %add3A_77, %mul3A_78 : i32
      %dma_start3A_80 = tpu.memref_slice %arg5[%mul3A_79] : memref<12800xi32, #tpu.memory_space<vmem>> -> memref<400xi32, #tpu.memory_space<vmem>>
      %dma_start3A_81 = arith.constant 0 : i32
      %dma_start3A_82 = arith.constant 0 : i32
      %dma_start3A_83 = tpu.memref_slice %arg2[%dma_start3A_81, %dma_start3A_82] : memref<1000000x128xf32, #tpu.memory_space<hbm>> -> memref<1000000x128xf32, #tpu.memory_space<hbm>>
      tpu.enqueue_indirect_dma source(%dma_start3A_83 : memref<1000000x128xf32, #tpu.memory_space<hbm>>) target(%arg6 : memref<400x128xf32, #tpu.memory_space<vmem>>) offsets(%dma_start3A_80 : memref<400xi32, #tpu.memory_space<vmem>>) semaphore(%arg8 : memref<!tpu.dma_semaphore, #tpu.memory_space<semaphore_mem>>)
      %add3A_84 = arith.constant 1 : i32
      %add3A_85 = arith.addi %add3A_53, %add3A_84 : i32
      %mul3A_86 = arith.constant 400 : i32
      %mul3A_87 = arith.muli %add3A_85, %mul3A_86 : i32
      %dma_wait3A_88 = tpu.memref_slice %arg5[%mul3A_87] : memref<12800xi32, #tpu.memory_space<vmem>> -> memref<400xi32, #tpu.memory_space<vmem>>
      %dma_wait3A_89 = arith.constant 0 : i32
      %dma_wait3A_90 = arith.constant 0 : i32
      %dma_wait3A_91 = tpu.memref_slice %arg2[%dma_wait3A_89, %dma_wait3A_90] : memref<1000000x128xf32, #tpu.memory_space<hbm>> -> memref<1000000x128xf32, #tpu.memory_space<hbm>>
      tpu.wait_indirect_dma semaphore(%arg9 : memref<!tpu.dma_semaphore, #tpu.memory_space<semaphore_mem>>) src(%dma_wait3A_91 : memref<1000000x128xf32, #tpu.memory_space<hbm>>) dst(%arg7 : memref<400x128xf32, #tpu.memory_space<vmem>>)
      %mul3A_92 = arith.constant 400 : i32
      %mul3A_93 = arith.muli %add3A_85, %mul3A_92 : i32
      %add3A_94 = arith.addi %mul3A_2, %mul3A_93 : i32
      %dma_start3A_95 = arith.constant 0 : i32
      %dma_start3A_96 = tpu.memref_slice %arg4[%add3A_94, %dma_start3A_95] : memref<409600x128xf32, #tpu.memory_space<hbm>> -> memref<400x128xf32, #tpu.memory_space<hbm>>
      %dma_start3A_97 = arith.constant 0 : i32
      %dma_start3A_98 = tpu.memref_slice %arg4[%add3A_94, %dma_start3A_97] : memref<409600x128xf32, #tpu.memory_space<hbm>> -> memref<400x128xf32, #tpu.memory_space<hbm>>
      tpu.enqueue_dma source(%arg7 : memref<400x128xf32, #tpu.memory_space<vmem>>) target(%dma_start3A_98 : memref<400x128xf32, #tpu.memory_space<hbm>>) target_semaphore(%arg11 : memref<!tpu.dma_semaphore, #tpu.memory_space<semaphore_mem>>)
      %mul3A_99 = arith.constant 400 : i32
      %mul3A_100 = arith.muli %add3A_85, %mul3A_99 : i32
      %add3A_101 = arith.addi %mul3A_2, %mul3A_100 : i32
      %dma_wait3A_102 = arith.constant 0 : i32
      %dma_wait3A_103 = tpu.memref_slice %arg4[%add3A_101, %dma_wait3A_102] : memref<409600x128xf32, #tpu.memory_space<hbm>> -> memref<400x128xf32, #tpu.memory_space<hbm>>
      %dma_wait3A_104 = arith.constant 0 : i32
      %dma_wait3A_105 = tpu.memref_slice %arg4[%add3A_101, %dma_wait3A_104] : memref<409600x128xf32, #tpu.memory_space<hbm>> -> memref<400x128xf32, #tpu.memory_space<hbm>>
      tpu.wait_dma2 semaphore(%arg11 : memref<!tpu.dma_semaphore, #tpu.memory_space<semaphore_mem>>) src(%arg7 : memref<400x128xf32, #tpu.memory_space<vmem>>) dst(%dma_wait3A_105 : memref<400x128xf32, #tpu.memory_space<hbm>>)
      %add3A_106 = arith.constant 2 : i32
      %add3A_107 = arith.addi %add3A_85, %add3A_106 : i32
      %mul3A_108 = arith.constant 400 : i32
      %mul3A_109 = arith.muli %add3A_107, %mul3A_108 : i32
      %dma_start3A_110 = tpu.memref_slice %arg5[%mul3A_109] : memref<12800xi32, #tpu.memory_space<vmem>> -> memref<400xi32, #tpu.memory_space<vmem>>
      %dma_start3A_111 = arith.constant 0 : i32
      %dma_start3A_112 = arith.constant 0 : i32
      %dma_start3A_113 = tpu.memref_slice %arg2[%dma_start3A_111, %dma_start3A_112] : memref<1000000x128xf32, #tpu.memory_space<hbm>> -> memref<1000000x128xf32, #tpu.memory_space<hbm>>
      tpu.enqueue_indirect_dma source(%dma_start3A_113 : memref<1000000x128xf32, #tpu.memory_space<hbm>>) target(%arg7 : memref<400x128xf32, #tpu.memory_space<vmem>>) offsets(%dma_start3A_110 : memref<400xi32, #tpu.memory_space<vmem>>) semaphore(%arg9 : memref<!tpu.dma_semaphore, #tpu.memory_space<semaphore_mem>>)
    }
    %scan3A_15 = arith.constant 15 : i32
    %dma_wait3A = arith.constant 12000 : i32
    %dma_wait3A_16 = tpu.memref_slice %arg5[%dma_wait3A] : memref<12800xi32, #tpu.memory_space<vmem>> -> memref<400xi32, #tpu.memory_space<vmem>>
    %dma_wait3A_17 = arith.constant 0 : i32
    %dma_wait3A_18 = arith.constant 0 : i32
    %dma_wait3A_19 = tpu.memref_slice %arg2[%dma_wait3A_17, %dma_wait3A_18] : memref<1000000x128xf32, #tpu.memory_space<hbm>> -> memref<1000000x128xf32, #tpu.memory_space<hbm>>
    tpu.wait_indirect_dma semaphore(%arg8 : memref<!tpu.dma_semaphore, #tpu.memory_space<semaphore_mem>>) src(%dma_wait3A_19 : memref<1000000x128xf32, #tpu.memory_space<hbm>>) dst(%arg6 : memref<400x128xf32, #tpu.memory_space<vmem>>)
    %add3A_20 = arith.constant 12000 : i32
    %add3A_21 = arith.addi %mul3A_2, %add3A_20 : i32
    %dma_start3A_22 = arith.constant 0 : i32
    %dma_start3A_23 = tpu.memref_slice %arg4[%add3A_21, %dma_start3A_22] : memref<409600x128xf32, #tpu.memory_space<hbm>> -> memref<400x128xf32, #tpu.memory_space<hbm>>
    %dma_start3A_24 = arith.constant 0 : i32
    %dma_start3A_25 = tpu.memref_slice %arg4[%add3A_21, %dma_start3A_24] : memref<409600x128xf32, #tpu.memory_space<hbm>> -> memref<400x128xf32, #tpu.memory_space<hbm>>
    tpu.enqueue_dma source(%arg6 : memref<400x128xf32, #tpu.memory_space<vmem>>) target(%dma_start3A_25 : memref<400x128xf32, #tpu.memory_space<hbm>>) target_semaphore(%arg10 : memref<!tpu.dma_semaphore, #tpu.memory_space<semaphore_mem>>)
    %add3A_26 = arith.constant 12000 : i32
    %add3A_27 = arith.addi %mul3A_2, %add3A_26 : i32
    %dma_wait3A_28 = arith.constant 0 : i32
    %dma_wait3A_29 = tpu.memref_slice %arg4[%add3A_27, %dma_wait3A_28] : memref<409600x128xf32, #tpu.memory_space<hbm>> -> memref<400x128xf32, #tpu.memory_space<hbm>>
    %dma_wait3A_30 = arith.constant 0 : i32
    %dma_wait3A_31 = tpu.memref_slice %arg4[%add3A_27, %dma_wait3A_30] : memref<409600x128xf32, #tpu.memory_space<hbm>> -> memref<400x128xf32, #tpu.memory_space<hbm>>
    tpu.wait_dma2 semaphore(%arg10 : memref<!tpu.dma_semaphore, #tpu.memory_space<semaphore_mem>>) src(%arg6 : memref<400x128xf32, #tpu.memory_space<vmem>>) dst(%dma_wait3A_31 : memref<400x128xf32, #tpu.memory_space<hbm>>)
    %dma_wait3A_32 = arith.constant 12400 : i32
    %dma_wait3A_33 = tpu.memref_slice %arg5[%dma_wait3A_32] : memref<12800xi32, #tpu.memory_space<vmem>> -> memref<400xi32, #tpu.memory_space<vmem>>
    %dma_wait3A_34 = arith.constant 0 : i32
    %dma_wait3A_35 = arith.constant 0 : i32
    %dma_wait3A_36 = tpu.memref_slice %arg2[%dma_wait3A_34, %dma_wait3A_35] : memref<1000000x128xf32, #tpu.memory_space<hbm>> -> memref<1000000x128xf32, #tpu.memory_space<hbm>>
    tpu.wait_indirect_dma semaphore(%arg9 : memref<!tpu.dma_semaphore, #tpu.memory_space<semaphore_mem>>) src(%dma_wait3A_36 : memref<1000000x128xf32, #tpu.memory_space<hbm>>) dst(%arg7 : memref<400x128xf32, #tpu.memory_space<vmem>>)
    %add3A_37 = arith.constant 12400 : i32
    %add3A_38 = arith.addi %mul3A_2, %add3A_37 : i32
    %dma_start3A_39 = arith.constant 0 : i32
    %dma_start3A_40 = tpu.memref_slice %arg4[%add3A_38, %dma_start3A_39] : memref<409600x128xf32, #tpu.memory_space<hbm>> -> memref<400x128xf32, #tpu.memory_space<hbm>>
    %dma_start3A_41 = arith.constant 0 : i32
    %dma_start3A_42 = tpu.memref_slice %arg4[%add3A_38, %dma_start3A_41] : memref<409600x128xf32, #tpu.memory_space<hbm>> -> memref<400x128xf32, #tpu.memory_space<hbm>>
    tpu.enqueue_dma source(%arg7 : memref<400x128xf32, #tpu.memory_space<vmem>>) target(%dma_start3A_42 : memref<400x128xf32, #tpu.memory_space<hbm>>) target_semaphore(%arg11 : memref<!tpu.dma_semaphore, #tpu.memory_space<semaphore_mem>>)
    %add3A_43 = arith.constant 12400 : i32
    %add3A_44 = arith.addi %mul3A_2, %add3A_43 : i32
    %dma_wait3A_45 = arith.constant 0 : i32
    %dma_wait3A_46 = tpu.memref_slice %arg4[%add3A_44, %dma_wait3A_45] : memref<409600x128xf32, #tpu.memory_space<hbm>> -> memref<400x128xf32, #tpu.memory_space<hbm>>
    %dma_wait3A_47 = arith.constant 0 : i32
    %dma_wait3A_48 = tpu.memref_slice %arg4[%add3A_44, %dma_wait3A_47] : memref<409600x128xf32, #tpu.memory_space<hbm>> -> memref<400x128xf32, #tpu.memory_space<hbm>>
    tpu.wait_dma2 semaphore(%arg11 : memref<!tpu.dma_semaphore, #tpu.memory_space<semaphore_mem>>) src(%arg7 : memref<400x128xf32, #tpu.memory_space<vmem>>) dst(%dma_wait3A_48 : memref<400x128xf32, #tpu.memory_space<hbm>>)
    return
  }
}

module attributes {stable_mosaic.version = 14 : i64} {
  func.func @body(%arg0: i32, %arg1: memref<64x16384xf32, #tpu.memory_space<vmem>>, %arg2: memref<16384x128xf32, #tpu.memory_space<vmem>>) attributes {dimension_semantics = [#tpu.dimension_semantics<arbitrary>], iteration_bounds = array<i64: 62>, scalar_prefetch = 0 : i64, scratch_operands = 0 : i64, tpu.core_type = #tpu.core_type<tc>, window_params = [{transform_indices = @transform_0, window_bounds = array<i64: 64, 16384>}, {transform_indices = @transform_1, window_bounds = array<i64: 16384, 128>}]} {
    %get3A = arith.constant 0 : index
    %get3A_0 = arith.constant 0 : index
    %get3A_1 = vector.load %arg1[%get3A, %get3A_0] : memref<64x16384xf32, #tpu.memory_space<vmem>>, vector<64x16384xf32>
    %transpose3A = tpu.transpose %get3A_1, [1, 0] : vector<64x16384xf32> -> vector<16384x64xf32>
    %swap3A = arith.constant 0 : index
    %swap3A_2 = arith.constant 0 : index
    %swap3A_3 = vector.load %arg2[%swap3A, %swap3A_2] : memref<16384x128xf32, #tpu.memory_space<vmem>>, vector<16384x64xf32>
    tpu.vector_store %arg2[%swap3A, %swap3A_2], %transpose3A {strides = array<i32>} : memref<16384x128xf32, #tpu.memory_space<vmem>>, vector<16384x64xf32>,
    return
  }
  func.func @transform_0(%arg0: i32) -> (i32, i32) {
    %c0_i32 = arith.constant 0 : i32
    %c0_i32_0 = arith.constant 0 : i32
    return %c0_i32, %arg0 : i32, i32
  }
  func.func @transform_1(%arg0: i32) -> (i32, i32) {
    %c0_i32 = arith.constant 0 : i32
    %c0_i32_0 = arith.constant 0 : i32
    return %arg0, %c0_i32 : i32, i32
  }
}

module attributes {stable_mosaic.version = 14 : i64} {
  func.func @body(%arg0: i32, %arg1: i32, %arg2: memref<16384x128xf32, #tpu.memory_space<vmem>>, %arg3: memref<1x64x16384xf32, #tpu.memory_space<vmem>>) attributes {dimension_semantics = [#tpu.dimension_semantics<arbitrary>, #tpu.dimension_semantics<arbitrary>], iteration_bounds = array<i64: 25, 1>, scalar_prefetch = 0 : i64, scratch_operands = 0 : i64, tpu.core_type = #tpu.core_type<tc>, window_params = [{transform_indices = @transform_0, window_bounds = array<i64: 16384, 128>}, {transform_indices = @transform_1, window_bounds = array<i64: 1, 64, 16384>}]} {
    %get3A = arith.constant 0 : index
    %get3A_0 = arith.constant 0 : index
    %get3A_1 = vector.load %arg2[%get3A, %get3A_0] : memref<16384x128xf32, #tpu.memory_space<vmem>>, vector<16384x64xf32>
    %transpose3A = tpu.transpose %get3A_1, [1, 0] : vector<16384x64xf32> -> vector<64x16384xf32>
    %swap3A = arith.constant 0 : index
    %swap3A_2 = arith.constant 0 : index
    %swap3A_3 = arith.constant 0 : index
    %swap3A_4 = vector.load %arg3[%swap3A, %swap3A_2, %swap3A_3] : memref<1x64x16384xf32, #tpu.memory_space<vmem>>, vector<1x64x16384xf32>
    %swap3A_5 = vector.shape_cast %swap3A_4 : vector<1x64x16384xf32> to vector<64x16384xf32>
    %swap3A_6 = vector.shape_cast %transpose3A : vector<64x16384xf32> to vector<1x64x16384xf32>
    tpu.vector_store %arg3[%swap3A, %swap3A_2, %swap3A_3], %swap3A_6 {strides = array<i32>} : memref<1x64x16384xf32, #tpu.memory_space<vmem>>, vector<1x64x16384xf32>,
    return
  }
  func.func @transform_0(%arg0: i32, %arg1: i32) -> (i32, i32) {
    %mul3A = arith.constant 1 : i32
    %mul3A_0 = arith.muli %arg0, %mul3A : i32
    %add3A = arith.addi %mul3A_0, %arg1 : i32
    %c0_i32 = arith.constant 0 : i32
    %c0_i32_1 = arith.constant 0 : i32
    return %add3A, %c0_i32 : i32, i32
  }
  func.func @transform_1(%arg0: i32, %arg1: i32) -> (i32, i32, i32) {
    %add3A = arith.constant 0 : i32
    %add3A_0 = arith.addi %arg0, %add3A : i32
    %c0_i32 = arith.constant 0 : i32
    %c0_i32_1 = arith.constant 0 : i32
    return %add3A_0, %c0_i32, %arg1 : i32, i32, i32
  }
}

module attributes {stable_mosaic.version = 14 : i64} {
  func.func @body(%arg0: i32, %arg1: i32, %arg2: memref<16384x128xf32, #tpu.memory_space<vmem>>, %arg3: memref<50x64x16384xf32, #tpu.memory_space<any>>, %arg4: memref<1x64x16384xf32, #tpu.memory_space<vmem>>) attributes {dimension_semantics = [#tpu.dimension_semantics<arbitrary>, #tpu.dimension_semantics<arbitrary>], iteration_bounds = array<i64: 25, 1>, scalar_prefetch = 0 : i64, scratch_operands = 0 : i64, tpu.core_type = #tpu.core_type<tc>, window_params = [{transform_indices = @transform_0, window_bounds = array<i64: 16384, 128>}, {}, {transform_indices = @transform_2, window_bounds = array<i64: 1, 64, 16384>}]} {
    %get3A = arith.constant 0 : index
    %get3A_0 = arith.constant 0 : index
    %get3A_1 = vector.load %arg2[%get3A, %get3A_0] : memref<16384x128xf32, #tpu.memory_space<vmem>>, vector<16384x64xf32>
    %transpose3A = tpu.transpose %get3A_1, [1, 0] : vector<16384x64xf32> -> vector<64x16384xf32>
    %swap3A = arith.constant 0 : index
    %swap3A_2 = arith.constant 0 : index
    %swap3A_3 = arith.constant 0 : index
    %swap3A_4 = vector.load %arg4[%swap3A, %swap3A_2, %swap3A_3] : memref<1x64x16384xf32, #tpu.memory_space<vmem>>, vector<1x64x16384xf32>
    %swap3A_5 = vector.shape_cast %swap3A_4 : vector<1x64x16384xf32> to vector<64x16384xf32>
    %swap3A_6 = vector.shape_cast %transpose3A : vector<64x16384xf32> to vector<1x64x16384xf32>
    tpu.vector_store %arg4[%swap3A, %swap3A_2, %swap3A_3], %swap3A_6 {strides = array<i32>} : memref<1x64x16384xf32, #tpu.memory_space<vmem>>, vector<1x64x16384xf32>,
    return
  }
  func.func @transform_0(%arg0: i32, %arg1: i32) -> (i32, i32) {
    %mul3A = arith.constant 1 : i32
    %mul3A_0 = arith.muli %arg0, %mul3A : i32
    %add3A = arith.addi %mul3A_0, %arg1 : i32
    %c0_i32 = arith.constant 0 : i32
    %c0_i32_1 = arith.constant 0 : i32
    return %add3A, %c0_i32 : i32, i32
  }
  func.func @transform_2(%arg0: i32, %arg1: i32) -> (i32, i32, i32) {
    %add3A = arith.constant 25 : i32
    %add3A_0 = arith.addi %arg0, %add3A : i32
    %c0_i32 = arith.constant 0 : i32
    %c0_i32_1 = arith.constant 0 : i32
    return %add3A_0, %c0_i32, %arg1 : i32, i32, i32
  }
}

</mosaic_0001>

<sc_bundles>
// kernel: kernel.10.cloned.1.call-start
scs
__scs_entry_jumppad:
0x0: {  	(pc) =	sbr.rel $0x88, $3  }
0x1: {  	(tag) =	ssettag $0x0;
	lr =	simm.s32 $0x1  }
0x2: {  	[smem:$0x3F9F] =	sst lr;
	_ =	strace $0xD0000000  }
0x3: {  	_ = 	snop  }
0x4: {  	_ = 	snop  }
0x5: {  	_ = 	snop  }
0x6: {  	_ = 	snop  }
0x7: {  	_ = 	snop  }
__scs_overlays_trampoline_lowered:
0x8: {  	[smem:$0x3FAE] =	sst s0  }
0x9: {  	[smem:$0x3FAF] =	sst s1  }
0xa: {  	[smem:$0x3FB0] =	sst s2  }
0xb: {  	[smem:$0x3FB1] =	sst s3  }
0xc: {  	[smem:$0x3FB2] =	sst s4  }
0xd: {  	[smem:$0x3FB3] =	sst s5  }
0xe: {  	[smem:$0x3FB4] =	sst s6  }
0xf: {  	[smem:$0x3FB5] =	sst s7  }
0x10: {  	[smem:$0x3FB6] =	sst s8  }
0x11: {  	[smem:$0x3FB7] =	sst s9;
	s0 =	simm.s32 @!p0 $0x0  }
0x12: {  	s1 =	sld [smem:$0x3F9D];
	s0 =	simm.s32 @p0 $0x1  }
0x13: {  	[smem:$0x3FB8] =	sst s0;
	s0 =	simm.s32 @!p1 $0x0  }
0x14: {  	s2 =	sld [smem:$0x3F9C];
	s0 =	simm.s32 @p1 $0x1  }
0x15: {  	[smem:$0x3FB9] =	sst s0;
	s0 =	simm.s32 @!p2 $0x0  }
0x16: {  	s3 =	sld [smem:$0x3FDB];
	s0 =	simm.s32 @p2 $0x1  }
0x17: {  	s4 =	simm.s32 $0x1BF5;
	[smem:$0x3FBB] =	sst s0  }
0x18: {  	s0 =	sld [smem:$0x3F9E];
	_ =	swait.ge [sflag:s4], $0x0  }
0x19: {  	s7 =	sld [smem:$0x3F9F]  }
0x1a: {  	s8 =	sadd.s32 $0xFFFFE003, lr  }
0x1b: {  	s9 =	sadd.s32 $0xFFFFFEF7, lr;
	s5 =	simm.s32 $0xFFFFFFFF;
	p2 =	slt.u32 s8, $0xFFFFF086  }
0x1c: {  	p1 =	slt.u32 s9, $0xF7A;
	s5 =	simm.s32 @!p2 $0x0  }
0x1d: {  	s5 =	simm.s32 @p1 $0x1;
	p0 =	seq.s32 s7, s2  }
0x1e: {  	s7 =	smul.u32 @!p0 $0xF7A, s2;
	p2 =	seq.s32 @!p0 s5, $0x0  }
0x1f: {  	s9 =	smul.u32 $0xF7A, s1;
	s8 =	simm.s32 @!p0 $0x1BF5;
	p2 =	por !p2, p0  }
0x20: {  	[sflag:s8] =	ssyncset.s32 @!p0 $0xFFFFF086;
	s6 =	sadd.s32 @!p0 s3, s7;
	s7 =	simm.s32 @!p0 $0x108  }
0x21: {  	s3 =	sadd.s32 s3, s9;
	s6 =	sadd.s32 @!p0 $0x88, s6;
	s7 =	simm.s32 @p2 $0x1082  }
0x22: {  	[simem:s7], [sflag:s8] =	dma.local @!p0 [hbm:s6], $0xF7A  }
0x23: {  	s9 =	sor.u32 $0xD0000000, s2;
	s6 =	simm.s32 $0x108;
	_ =	swait.ge @!p0 [sflag:s8], $0x0  }
0x24: {  	s3 =	sadd.s32 $0x88, s3;
	s6 =	simm.s32 @!p1 $0x1082;
	[sflag:s4] =	ssyncset.s32 $0xFFFFF086  }
0x25: {  	[simem:s6], [sflag:s4] =	dma.local [hbm:s3], $0xF7A  }
0x26: {  	[smem:$0x3F9F] =	sst s1;
	(tag) =	ssettag s2;
	_ =	strace s9  }
0x27: {  	s1 =	sld [smem:$0x3FAF]  }
0x28: {  	s2 =	sld [smem:$0x3FB0]  }
0x29: {  	s4 =	sld [smem:$0x3FB2]  }
0x2a: {  	p0 =	seq.s32 s5, $0x0;
	s5 =	sld [smem:$0x3FB3]  }
0x2b: {  	s6 =	sld [smem:$0x3FB4]  }
0x2c: {  	s7 =	sld [smem:$0x3FB5]  }
0x2d: {  	s3 =	simm.s32 $0x108;
	s8 =	sld [smem:$0x3FB6]  }
0x2e: {  	s3 =	simm.s32 @!p0 $0x1082;
	s9 =	sld [smem:$0x3FB7]  }
0x2f: {  	lr =	sadd.s32 s0, s3;
	s0 =	sld [smem:$0x3FAE]  }
0x30: {  	s3 =	sld [smem:$0x3FB1]  }
0x31: {  	[smem:$0x3FBA] =	sst s10  }
0x32: {  	s10 =	sld [smem:$0x3FB8];
	_ =	sdelay $0x3  }
0x33: {  	p0 =	seq.s32 s10, $0x1;
	s10 =	sld [smem:$0x3FBA];
	_ =	sdelay $0x3  }
0x34: {  	[smem:$0x3FBA] =	sst s10  }
0x35: {  	s10 =	sld [smem:$0x3FB9];
	_ =	sdelay $0x3  }
0x36: {  	p1 =	seq.s32 s10, $0x1;
	s10 =	sld [smem:$0x3FBA];
	_ =	sdelay $0x3  }
0x37: {  	[smem:$0x3FBA] =	sst s10  }
0x38: {  	s10 =	sld [smem:$0x3FBB]  }
0x39: {  	_ = 	snop;
	(pc) =	sbr.ind lr, $3  }
0x3a: {  	_ = 	snop  }
0x3b: {  	_ = 	snop  }
0x3c: {  	p2 =	seq.s32 s10, $0x1;
	s10 =	sld [smem:$0x3FBA]  }
0x3d: {  	_ =	shalt  }
0x3e: {  	_ =	shalt  }
0x3f: {  	_ =	shalt  }
0x40: {  	_ =	shalt  }
0x41: {  	_ =	shalt  }
0x42: {  	_ =	shalt  }
0x43: {  	_ =	shalt  }
0x44: {  	_ =	shalt  }
0x45: {  	_ =	shalt  }
0x46: {  	_ =	shalt  }
0x47: {  	_ =	shalt  }
0x48: {  	_ =	shalt  }
0x49: {  	_ =	shalt  }
0x4a: {  	_ =	shalt  }
0x4b: {  	_ =	shalt  }
0x4c: {  	_ =	shalt  }
0x4d: {  	_ =	shalt  }
0x4e: {  	_ =	shalt  }
0x4f: {  	_ =	shalt  }
0x50: {  	_ =	shalt  }
0x51: {  	_ =	shalt  }
0x52: {  	_ =	shalt  }
0x53: {  	_ =	shalt  }
0x54: {  	_ =	shalt  }
0x55: {  	_ =	shalt  }
0x56: {  	_ =	shalt  }
0x57: {  	_ =	shalt  }
0x58: {  	_ =	shalt  }
0x59: {  	_ =	shalt  }
0x5a: {  	_ =	shalt  }
0x5b: {  	_ =	shalt  }
0x5c: {  	_ =	shalt  }
0x5d: {  	_ =	shalt  }
0x5e: {  	_ =	shalt  }
0x5f: {  	_ =	shalt  }
0x60: {  	_ =	shalt  }
0x61: {  	_ =	shalt  }
0x62: {  	_ =	shalt  }
0x63: {  	_ =	shalt  }
0x64: {  	_ =	shalt  }
0x65: {  	_ =	shalt  }
0x66: {  	_ =	shalt  }
0x67: {  	_ =	shalt  }
0x68: {  	_ =	shalt  }
0x69: {  	_ =	shalt  }
0x6a: {  	_ =	shalt  }
0x6b: {  	_ =	shalt  }
0x6c: {  	_ =	shalt  }
0x6d: {  	_ =	shalt  }
0x6e: {  	_ =	shalt  }
0x6f: {  	_ =	shalt  }
0x70: {  	_ =	shalt  }
0x71: {  	_ =	shalt  }
0x72: {  	_ =	shalt  }
0x73: {  	_ =	shalt  }
0x74: {  	_ =	shalt  }
0x75: {  	_ =	shalt  }
0x76: {  	_ =	shalt  }
0x77: {  	_ =	shalt  }
0x78: {  	_ =	shalt  }
0x79: {  	_ =	shalt  }
0x7a: {  	_ =	shalt  }
0x7b: {  	_ =	shalt  }
0x7c: {  	_ =	shalt  }
0x7d: {  	_ =	shalt  }
0x7e: {  	_ =	shalt  }
0x7f: {  	_ =	shalt  }
0x80: {  	_ =	shalt  }
0x81: {  	_ =	shalt  }
0x82: {  	_ =	shalt  }
0x83: {  	_ =	shalt  }
0x84: {  	_ =	shalt  }
0x85: {  	_ =	shalt  }
0x86: {  	_ =	shalt  }
0x87: {  	_ =	shalt  }
.Lfunc_end0:
.L_simem_size_0:
called_computation.1_lowered:
.L_overlay_start_0:
0x88: {  	s2 =	sld [smem:$0x3FD9]  }
0x89: {  	s3 =	sld [smem:$0x3FFE];
	_ =	sdelay $0x1  }
0x8a: {  	s1 =	srdreg.scid  }
0x8b: {  	s0 =	sand.u32 $0x1, s1  }
0x8c: {  	s17 =	sshll.u32 s0, $0xA;
	s2 =	sadd.s32 s3, s2  }
0x8d: {  	s2 =	sadd.s32 s2, s17  }
0x8e: {  	[smem:$0x3FC6] =	sst s2  }
0x8f: {  	_ = 	snop  }
0x90: {  	(tm) =	ssettm $0x1  }
0x91: {  	s18 =	sld [smem:$0x3FFB];
	_ =	sdelay $0x3  }
0x92: {  	_ =	strace s18  }
0x93: {  	s2 =	sld [smem:$0x3FFC];
	_ =	sdelay $0x3  }
0x94: {  	_ =	strace s2  }
0x95: {  	s2 =	sld [smem:$0x3FFD];
	_ =	sdelay $0x3  }
0x96: {  	_ =	strace s2  }
0x97: {  	_ =	strace $0x8FFFFFFF  }
0x98: {  	s19 =	sld [smem:$0x3FDB];
	_ =	sdelay $0x1  }
0x99: {  	s20 =	simm.s32 $_scs_section_size  }
0x9a: {  	s4 =	simm.s32 $_size__tile_overlayer_lowered;
	s5 =	simm.s32 $_tile_overlayer_lowered  }
0x9b: {  	s6 =	simm.s32 $0x1BFF;
	s21 =	sshll.u32 s5, $0x1;
	s3 =	sadd.s32 s20, s19  }
0x9c: {  	s22 =	simm.s32 $0x0;
	s4 =	sshll.u32 s4, $0x1;
	s5 =	sadd.s32 s21, s3  }
0x9d: {  	[timem:s22], [sflag:s6] =	dma.local [hbm:s5], s4  }
0x9e: {  	_ =	swait.ge [sflag:s6], s4  }
0x9f: {  	s4 =	ssub.s32 $0x0, s4;
	[sflag:s6] =	ssyncset.done $0x0  }
0xa0: {  	[sflag:s6] =	ssyncadd.s32 s4;
	_ =	sdelay $0x1  }
0xa1: {  	s23 =	simm.s32 $0x1B8B  }
0xa2: {  	_ =	swait.ge [sflag:s23], $0x1  }
0xa3: {  	[sflag:s23] =	ssyncset.done $0x0  }
0xa4: {  	[sflag:s23] =	ssyncadd.s32 $0xFFFFFFFF  }
0xa5: {  	s4 =	sld [smem:$0x0]  }
0xa6: {  	s5 =	sand.u32 $0xFFFFFFFE, s1  }
0xa7: {  	p0 =	sne.s32 s1, s5  }
0xa8: {  	s5 =	sshll.u32 @p0 s5, $0xE  }
0xa9: {  	s5 =	sadd.s32 @p0 $0x11B8D, s5;
	s6 =	sshll.u32 @p0 s4, $0x11  }
0xaa: {  	s5 =	sor.u32 @p0 s6, s5  }
0xab: {  	[sflag:s5] =	ssyncadd.remote.s32 @p0 $0x1;
	_ =	sdelay $0x1  }
0xac: {  	s5 =	simm.s32 @p0 $0x1B8D  }
0xad: {  	_ =	swait.eq @p0 [sflag:s5], $0x1  }
0xae: {  	[sflag:s5] =	ssyncadd.s32 @p0 $0xFFFFFFFF  }
0xaf: {  	s6 =	sshll.u32 @!p0 s1, $0xE  }
0xb0: {  	s6 =	sor.u32 @!p0 $0x4000, s6;
	s5 =	simm.s32 @!p0 $0x1B8D  }
0xb1: {  	s4 =	sshll.u32 @!p0 s4, $0x11;
	s6 =	sadd.s32 @!p0 $0x11B8D, s6;
	_ =	swait.eq @!p0 [sflag:s5], $0x1  }
0xb2: {  	s4 =	sor.u32 @!p0 s4, s6;
	[sflag:s5] =	ssyncadd.s32 @!p0 $0xFFFFFFFF  }
0xb3: {  	s25 =	simm.s32 $0x1B8E;
	s24 =	sld [smem:$0x3FFE];
	[sflag:s4] =	ssyncadd.remote.s32 @!p0 $0x1  }
0xb4: {  	s26 =	simm.s32 $execute0_lowered;
	[smem:$0x3FD2] =	sst s25  }
0xb5: {  	s5 =	sshll.u32 s26, $0x1;
	_ =	strace $0x80000049;
	[dreg:$0x1] =	wrdreg $0xFFFFFFFF  }
0xb6: {  	s28 =	simm.s32 $_size_execute0_lowered;
	s3 =	sadd.s32 s3, s5;
	[dreg:$0x0] =	wrdreg $0x0  }
0xb7: {  	s5 =	sshll.u32 s28, $0x1;
	[dreg:$0x2] =	wrdreg s3  }
0xb8: {  	[dreg:$0x3] =	wrdreg s5  }
0xb9: {  	[dreg:$0x4] =	wrdreg $0xC0  }
0xba: {  	_ =	task [dreg:s22], $0x5FFFF  }
0xbb: {  	[dreg:$0x1] =	wrdreg $0xFFFFFFFF  }
0xbc: {  	[dreg:$0x0] =	wrdreg $0x60  }
0xbd: {  	[dreg:$0x2] =	wrdreg s24  }
0xbe: {  	[dreg:$0x3] =	wrdreg $0xA  }
0xbf: {  	_ =	task.clear_ibuf [dreg:s22], $0x4FFFF;
	_ =	strace $0x90000049  }
0xc0: {  	s29 =	simm.s32 $0xA;
	_ =	strace $0x8000004B  }
0xc1: {  	_ =	swait.ge [sflag:s29], $0x1  }
0xc2: {  	[sflag:s29] =	ssyncadd.s32 $0xFFFFFFFF  }
0xc3: {  	_ =	strace $0x9000004B  }
0xc4: {  	_ =	sfence  }
0xc5: {  	s30 =	sld [smem:$0x0];
	_ =	sdelay $0x2  }
0xc6: {  	s31 =	sshll.u32 s1, $0xD;
	s1 =	sshrl.u32 s1, $0x2  }
0xc7: {  	s4 =	sand.u32 $0x4000, s31;
	s1 =	sadd.s32 s1, s30  }
0xc8: {  	s0 =	sor.u32 s4, s0;
	s1 =	sshll.u32 s1, $0x11  }
0xc9: {  	s0 =	sor.u32 s1, s0  }
0xca: {  	s0 =	sadd.s32 $0x8F2B, s0  }
0xcb: {  	[sflag:s0] =	ssyncadd.remote.s32 $0x1  }
0xcc: {  	_ =	sfence.sel $0xFFFF  }
0xcd: {  	[dreg:$0x0] =	wrdreg $0xFFFFFFFF;
	(pc) =	sbr.abs _section_cstart, $3  }
0xce: {  	[dreg:$0x1] =	wrdreg $0xFFFFFFFF  }
0xcf: {  	_ =	task.clear_ibuf [dreg:s22], $0x2FFFF;
	_ =	strace $0x9FFFFFFF  }
0xd0: {  	(tm) =	ssettm $0x7FFFFFFF  }
0xd1: {  	_ =	shalt  }
tec
execute0_lowered:
.L_overlay_start_1:
0x0: {  	(tag) =	ssettag $0x1  }
0x1: {  	s1 =	srdreg.scid;
	s0 =	stileid.u32  }
0x2: {  	s4 =	rddreg [dreg:$0x0];
	s2 =	simm.s32 $0x0;
	s13 =	simm.s32 $0xFA00  }
0x3: {  	s14 =	simm.s32 $0x1;
	s15 =	simm.s32 $0x3;
	s16 =	simm.s32 $0x2  }
0x4: {  	s17 =	simm.s32 $0x4;
	s18 =	simm.s32 $0x0;
	s9 =	smul.u32 $0x6400, s0  }
0x5: {  	s6 =	sand.u32 $0x1, s1;
	s1 =	rddreg [dreg:$0x1];
	s31 =	smul.u32 $0x64000, s0  }
0x6: {  	s3 =	sshll.u32 s0, $0x1;
	[smem:$0x7FF] =	sst s2;
	s11 =	smul.u32 $0x3200, s6  }
0x7: {  	s10 =	sadd.s32 $0x158F600, s4;
	s5 =	sor.u32 s6, s3;
	s12 =	smul.u32 $0x32000, s6  }
0x8: {  	_ =	strace $0x8000004A;
	s8 =	ssub.s32 $0x2, s6;
	s7 =	smul.u32 $0x3200, s5  }
0x9: {  	s3 =	sadd.s32 $0xA00, s4;
	s5 =	smul.u32 $0x190000, s5;
	s29 =	sshrl.u32 s8, $0x1  }
0xa: {  	s8 =	ssub.s32 s8, s29;
	s9 =	sadd.s32 s11, s9;
	s11 =	simm.s32 $0x190  }
0xb: {  	s7 =	sshrl.u32 s7, $0x3;
	s5 =	sshrl.u32 s5, $0x3;
	s9 =	sshll.u32 s9, $0x4  }
0xc: {  	s7 =	sadd.s32 s7, s4;
	s30 =	sadd.s32 s10, s5;
	s9 =	sadd.s32 s9, s10  }
0xd: {  	s10 =	sadd.s32 s31, s10;
	s4 =	sadd.s32 $0x1582E00, s7;
	s5 =	sadd.s32 $0x2EE00, s30  }
0xe: {  	s6 =	sadd.s32 $0x30700, s30;
	s7 =	smax.u32 s8, $0x1;
	s8 =	sadd.s32 $0x1900, s9  }
0xf: {  	s9 =	sadd.s32 s12, s10;
	s10 =	simm.s32 $0x5;
	s12 =	simm.s32 $0x3200  }
.LBB2_1:
0x10: {  	[tilespmem:s2], [sflag:$0x5] =	stream.linear.gather [hbm4b:s4+s2], $0x3200, $0x38;
	[tilespmem:$0x1C200] =	vst v63  }
0x11: {  	_ =	swait.ge [sflag:s10], $0x3200  }
0x12: {  	[sflag:s10] =	ssyncset.done $0x0  }
0x13: {  	[sflag:s10] =	ssyncadd.s32 $0xFFFFCE00  }
0x14: {  	[tilespmem:s12], [sflag:$0x1] =	stream.indirect.gather [hbm4b:s3+s11], $0x80, s2, s11, $0xb8;
	[tilespmem:$0x1C200] =	vst v63  }
0x15: {  	_ = 	snop  }
0x16: {  	[tilespmem:s13], [sflag:$0x2] =	stream.indirect.gather [hbm4b:s3+s11], $0x80, s11, s11, $0xb8;
	[tilespmem:$0x1C200] =	vst v63  }
0x17: {  	_ =	swait.ge [sflag:s14], $0xC800  }
0x18: {  	[sflag:s14] =	ssyncset.done $0x0  }
0x19: {  	s19 =	sadd.s32 $0x0, s9;
	[sflag:s14] =	ssyncadd.s32 $0xFFFF3800  }
0x1a: {  	[hbm4b:s19+s2] =	stream.linear.scatter [tilespmem:s12], [sflag:$0x3], $0xC800, $0x38;
	[tilespmem:$0x1C200] =	vst v63  }
0x1b: {  	_ =	swait.ge [sflag:s15], $0xC800  }
0x1c: {  	[sflag:s15] =	ssyncset.done $0x0  }
0x1d: {  	s30 =	simm.s32 $0x320;
	[sflag:s15] =	ssyncadd.s32 $0xFFFF3800  }
0x1e: {  	[tilespmem:s12], [sflag:$0x1] =	stream.indirect.gather [hbm4b:s3+s11], $0x80, s30, s11, $0xb8;
	[tilespmem:$0x1C200] =	vst v63  }
0x1f: {  	_ =	swait.ge [sflag:s16], $0xC800  }
0x20: {  	[sflag:s16] =	ssyncset.done $0x0  }
0x21: {  	s31 =	sadd.s32 $0x0, s8;
	[sflag:s16] =	ssyncadd.s32 $0xFFFF3800  }
0x22: {  	[hbm4b:s31+s2] =	stream.linear.scatter [tilespmem:s13], [sflag:$0x4], $0xC800, $0x38;
	[tilespmem:$0x1C200] =	vst v63  }
0x23: {  	_ =	swait.ge [sflag:s17], $0xC800  }
0x24: {  	s20 =	simm.s32 $0x3200;
	[sflag:s17] =	ssyncset.done $0x0  }
0x25: {  	s21 =	simm.s32 $0x7D0;
	s19 =	simm.s32 $0x4B0;
	[sflag:s17] =	ssyncadd.s32 $0xFFFF3800  }
.LBB2_2:
0x26: {  	[tilespmem:s13], [sflag:$0x2] =	stream.indirect.gather [hbm4b:s3+s11], $0x80, s19, s11, $0xb8;
	[tilespmem:$0x1C200] =	vst v63  }
0x27: {  	s22 =	smov.u32 s20;
	s19 =	smov.u32 s21  }
0x28: {  	p0 =	sne.s32 s20, $0x2BC00;
	s20 =	sadd.s32 $0x3200, s20;
	_ =	swait.ge [sflag:s14], $0xC800  }
0x29: {  	[sflag:s14] =	ssyncset.done $0x0  }
0x2a: {  	s23 =	sadd.s32 s22, s9;
	[sflag:s14] =	ssyncadd.s32 $0xFFFF3800  }
0x2b: {  	[hbm4b:s23+s2] =	stream.linear.scatter [tilespmem:s12], [sflag:$0x3], $0xC800, $0x38;
	[tilespmem:$0x1C200] =	vst v63  }
0x2c: {  	_ =	swait.ge [sflag:s15], $0xC800  }
0x2d: {  	[sflag:s15] =	ssyncset.done $0x0  }
0x2e: {  	s23 =	sadd.s32 $0xFFFFFE70, s21;
	[sflag:s15] =	ssyncadd.s32 $0xFFFF3800  }
0x2f: {  	[tilespmem:s12], [sflag:$0x1] =	stream.indirect.gather [hbm4b:s3+s11], $0x80, s23, s11, $0xb8;
	[tilespmem:$0x1C200] =	vst v63  }
0x30: {  	_ =	swait.ge [sflag:s16], $0xC800  }
0x31: {  	[sflag:s16] =	ssyncset.done $0x0  }
.Ltmp0:
0x32: {  	s22 =	sadd.s32 s22, s8;
	[sflag:s16] =	ssyncadd.s32 $0xFFFF3800;
	(pc) =	sbr.rel @p0 .LBB2_2-.Ltmp0, $4  }
0x33: {  	[hbm4b:s22+s2] =	stream.linear.scatter [tilespmem:s13], [sflag:$0x4], $0xC800, $0x38;
	[tilespmem:$0x1C200] =	vst v63  }
0x34: {  	_ =	swait.ge [sflag:s17], $0xC800  }
0x35: {  	[sflag:s17] =	ssyncset.done $0x0  }
0x36: {  	s21 =	sadd.s32 $0x320, s21;
	[sflag:s17] =	ssyncadd.s32 $0xFFFF3800  }
0x37: {  	[tilespmem:s13], [sflag:$0x2] =	stream.indirect.gather [hbm4b:s3+s11], $0x80, s19, s11, $0xb8;
	[tilespmem:$0x1C200] =	vst v63  }
0x38: {  	_ =	swait.ge [sflag:s14], $0xC800  }
0x39: {  	[sflag:s14] =	ssyncset.done $0x0  }
0x3a: {  	[sflag:s14] =	ssyncadd.s32 $0xFFFF3800  }
0x3b: {  	[hbm4b:s5+s2] =	stream.linear.scatter [tilespmem:s12], [sflag:$0x3], $0xC800, $0x38;
	[tilespmem:$0x1C200] =	vst v63  }
0x3c: {  	_ =	swait.ge [sflag:s15], $0xC800  }
0x3d: {  	[sflag:s15] =	ssyncset.done $0x0  }
0x3e: {  	[sflag:s15] =	ssyncadd.s32 $0xFFFF3800  }
0x3f: {  	s18 =	sadd.s32 $0x1, s18;
	_ =	swait.ge [sflag:s16], $0xC800  }
0x40: {  	p0 =	sne.s32 s18, s7;
	[sflag:s16] =	ssyncset.done $0x0  }
.Ltmp1:
0x41: {  	[sflag:s16] =	ssyncadd.s32 $0xFFFF3800;
	(pc) =	sbr.rel @p0 .LBB2_1-.Ltmp1, $4  }
0x42: {  	[hbm4b:s6+s2] =	stream.linear.scatter [tilespmem:s13], [sflag:$0x4], $0xC800, $0x38;
	[tilespmem:$0x1C200] =	vst v63  }
0x43: {  	_ =	swait.ge [sflag:s17], $0xC800  }
0x44: {  	[sflag:s17] =	ssyncset.done $0x0  }
0x45: {  	[sflag:s17] =	ssyncadd.s32 $0xFFFF3800  }
0x46: {  	_ =	sfence.sel $0x180000  }
0x47: {  	[bflag:$0x0] =	sbarrier.arrive $0xFFFF  }
0x48: {  	p0 =	sne.s32 s0, $0x0;
	_ =	strace $0x9000004A  }
0x49: {  	s0 =	sadd.s32 @!p0 $0x100000, s1;
	[bflag:$0x2] =	sbarrier.arrive $0xFFFF  }
0x4a: {  	[sflag:s0] =	ssyncadd.tile.s32 @!p0 $0x1;
	_ =	shalt  }
.Lfunc_end2:
_tile_overlayer_lowered:
.L_overlay_start_2:
0x4b: {  	(tag) =	ssettag $0x2  }
0x4c: {  	s0 =	rddreg [dreg:$0x0];
	s2 =	stileid.u32  }
0x4d: {  	s1 =	rddreg [dreg:$0x1];
	p0 =	sne.s32 s2, $0x0  }
0x4e: {  	s3 =	rddreg [dreg:$0x2];
	[bflag:$0x3] =	sbarrier.arrive $0xFFFF;
	s2 =	simm.s32 @!p0 $0x1C05  }
0x4f: {  	[timem:s3], [sflag:s2] =	dma.local @!p0 [hbm:s0], s1  }
0x50: {  	s0 =	simm.s32 @!p0 $0x5  }
0x51: {  	_ =	swait.ge @!p0 [sflag:s0], s1  }
0x52: {  	s1 =	ssub.s32 @!p0 $0x0, s1;
	[sflag:s0] =	ssyncset.done @!p0 $0x0  }
0x53: {  	[sflag:s0] =	ssyncadd.s32 @!p0 s1  }
0x54: {  	[bflag:$0x3] =	sbarrier.arrive $0xFFFF  }
0x55: {  	_ =	shalt  }

// kernel: kernel.7.cloned.1.call-start
scs
__scs_entry_jumppad:
0x0: {  	(pc) =	sbr.rel $0x88, $3  }
0x1: {  	(tag) =	ssettag $0x0;
	lr =	simm.s32 $0x1  }
0x2: {  	[smem:$0x3F9F] =	sst lr;
	_ =	strace $0xD0000000  }
0x3: {  	_ = 	snop  }
0x4: {  	_ = 	snop  }
0x5: {  	_ = 	snop  }
0x6: {  	_ = 	snop  }
0x7: {  	_ = 	snop  }
__scs_overlays_trampoline_lowered:
0x8: {  	[smem:$0x3FAE] =	sst s0  }
0x9: {  	[smem:$0x3FAF] =	sst s1  }
0xa: {  	[smem:$0x3FB0] =	sst s2  }
0xb: {  	[smem:$0x3FB1] =	sst s3  }
0xc: {  	[smem:$0x3FB2] =	sst s4  }
0xd: {  	[smem:$0x3FB3] =	sst s5  }
0xe: {  	[smem:$0x3FB4] =	sst s6  }
0xf: {  	[smem:$0x3FB5] =	sst s7  }
0x10: {  	[smem:$0x3FB6] =	sst s8  }
0x11: {  	[smem:$0x3FB7] =	sst s9;
	s0 =	simm.s32 @!p0 $0x0  }
0x12: {  	s1 =	sld [smem:$0x3F9D];
	s0 =	simm.s32 @p0 $0x1  }
0x13: {  	[smem:$0x3FB8] =	sst s0;
	s0 =	simm.s32 @!p1 $0x0  }
0x14: {  	s2 =	sld [smem:$0x3F9C];
	s0 =	simm.s32 @p1 $0x1  }
0x15: {  	[smem:$0x3FB9] =	sst s0;
	s0 =	simm.s32 @!p2 $0x0  }
0x16: {  	s3 =	sld [smem:$0x3FDB];
	s0 =	simm.s32 @p2 $0x1  }
0x17: {  	s4 =	simm.s32 $0x1BF5;
	[smem:$0x3FBB] =	sst s0  }
0x18: {  	s0 =	sld [smem:$0x3F9E];
	_ =	swait.ge [sflag:s4], $0x0  }
0x19: {  	s7 =	sld [smem:$0x3F9F]  }
0x1a: {  	s8 =	sadd.s32 $0xFFFFE003, lr  }
0x1b: {  	s9 =	sadd.s32 $0xFFFFFEF7, lr;
	s5 =	simm.s32 $0xFFFFFFFF;
	p2 =	slt.u32 s8, $0xFFFFF086  }
0x1c: {  	p1 =	slt.u32 s9, $0xF7A;
	s5 =	simm.s32 @!p2 $0x0  }
0x1d: {  	s5 =	simm.s32 @p1 $0x1;
	p0 =	seq.s32 s7, s2  }
0x1e: {  	s7 =	smul.u32 @!p0 $0xF7A, s2;
	p2 =	seq.s32 @!p0 s5, $0x0  }
0x1f: {  	s9 =	smul.u32 $0xF7A, s1;
	s8 =	simm.s32 @!p0 $0x1BF5;
	p2 =	por !p2, p0  }
0x20: {  	[sflag:s8] =	ssyncset.s32 @!p0 $0xFFFFF086;
	s6 =	sadd.s32 @!p0 s3, s7;
	s7 =	simm.s32 @!p0 $0x108  }
0x21: {  	s3 =	sadd.s32 s3, s9;
	s6 =	sadd.s32 @!p0 $0x88, s6;
	s7 =	simm.s32 @p2 $0x1082  }
0x22: {  	[simem:s7], [sflag:s8] =	dma.local @!p0 [hbm:s6], $0xF7A  }
0x23: {  	s9 =	sor.u32 $0xD0000000, s2;
	s6 =	simm.s32 $0x108;
	_ =	swait.ge @!p0 [sflag:s8], $0x0  }
0x24: {  	s3 =	sadd.s32 $0x88, s3;
	s6 =	simm.s32 @!p1 $0x1082;
	[sflag:s4] =	ssyncset.s32 $0xFFFFF086  }
0x25: {  	[simem:s6], [sflag:s4] =	dma.local [hbm:s3], $0xF7A  }
0x26: {  	[smem:$0x3F9F] =	sst s1;
	(tag) =	ssettag s2;
	_ =	strace s9  }
0x27: {  	s1 =	sld [smem:$0x3FAF]  }
0x28: {  	s2 =	sld [smem:$0x3FB0]  }
0x29: {  	s4 =	sld [smem:$0x3FB2]  }
0x2a: {  	p0 =	seq.s32 s5, $0x0;
	s5 =	sld [smem:$0x3FB3]  }
0x2b: {  	s6 =	sld [smem:$0x3FB4]  }
0x2c: {  	s7 =	sld [smem:$0x3FB5]  }
0x2d: {  	s3 =	simm.s32 $0x108;
	s8 =	sld [smem:$0x3FB6]  }
0x2e: {  	s3 =	simm.s32 @!p0 $0x1082;
	s9 =	sld [smem:$0x3FB7]  }
0x2f: {  	lr =	sadd.s32 s0, s3;
	s0 =	sld [smem:$0x3FAE]  }
0x30: {  	s3 =	sld [smem:$0x3FB1]  }
0x31: {  	[smem:$0x3FBA] =	sst s10  }
0x32: {  	s10 =	sld [smem:$0x3FB8];
	_ =	sdelay $0x3  }
0x33: {  	p0 =	seq.s32 s10, $0x1;
	s10 =	sld [smem:$0x3FBA];
	_ =	sdelay $0x3  }
0x34: {  	[smem:$0x3FBA] =	sst s10  }
0x35: {  	s10 =	sld [smem:$0x3FB9];
	_ =	sdelay $0x3  }
0x36: {  	p1 =	seq.s32 s10, $0x1;
	s10 =	sld [smem:$0x3FBA];
	_ =	sdelay $0x3  }
0x37: {  	[smem:$0x3FBA] =	sst s10  }
0x38: {  	s10 =	sld [smem:$0x3FBB]  }
0x39: {  	_ = 	snop;
	(pc) =	sbr.ind lr, $3  }
0x3a: {  	_ = 	snop  }
0x3b: {  	_ = 	snop  }
0x3c: {  	p2 =	seq.s32 s10, $0x1;
	s10 =	sld [smem:$0x3FBA]  }
0x3d: {  	_ =	shalt  }
0x3e: {  	_ =	shalt  }
0x3f: {  	_ =	shalt  }
0x40: {  	_ =	shalt  }
0x41: {  	_ =	shalt  }
0x42: {  	_ =	shalt  }
0x43: {  	_ =	shalt  }
0x44: {  	_ =	shalt  }
0x45: {  	_ =	shalt  }
0x46: {  	_ =	shalt  }
0x47: {  	_ =	shalt  }
0x48: {  	_ =	shalt  }
0x49: {  	_ =	shalt  }
0x4a: {  	_ =	shalt  }
0x4b: {  	_ =	shalt  }
0x4c: {  	_ =	shalt  }
0x4d: {  	_ =	shalt  }
0x4e: {  	_ =	shalt  }
0x4f: {  	_ =	shalt  }
0x50: {  	_ =	shalt  }
0x51: {  	_ =	shalt  }
0x52: {  	_ =	shalt  }
0x53: {  	_ =	shalt  }
0x54: {  	_ =	shalt  }
0x55: {  	_ =	shalt  }
0x56: {  	_ =	shalt  }
0x57: {  	_ =	shalt  }
0x58: {  	_ =	shalt  }
0x59: {  	_ =	shalt  }
0x5a: {  	_ =	shalt  }
0x5b: {  	_ =	shalt  }
0x5c: {  	_ =	shalt  }
0x5d: {  	_ =	shalt  }
0x5e: {  	_ =	shalt  }
0x5f: {  	_ =	shalt  }
0x60: {  	_ =	shalt  }
0x61: {  	_ =	shalt  }
0x62: {  	_ =	shalt  }
0x63: {  	_ =	shalt  }
0x64: {  	_ =	shalt  }
0x65: {  	_ =	shalt  }
0x66: {  	_ =	shalt  }
0x67: {  	_ =	shalt  }
0x68: {  	_ =	shalt  }
0x69: {  	_ =	shalt  }
0x6a: {  	_ =	shalt  }
0x6b: {  	_ =	shalt  }
0x6c: {  	_ =	shalt  }
0x6d: {  	_ =	shalt  }
0x6e: {  	_ =	shalt  }
0x6f: {  	_ =	shalt  }
0x70: {  	_ =	shalt  }
0x71: {  	_ =	shalt  }
0x72: {  	_ =	shalt  }
0x73: {  	_ =	shalt  }
0x74: {  	_ =	shalt  }
0x75: {  	_ =	shalt  }
0x76: {  	_ =	shalt  }
0x77: {  	_ =	shalt  }
0x78: {  	_ =	shalt  }
0x79: {  	_ =	shalt  }
0x7a: {  	_ =	shalt  }
0x7b: {  	_ =	shalt  }
0x7c: {  	_ =	shalt  }
0x7d: {  	_ =	shalt  }
0x7e: {  	_ =	shalt  }
0x7f: {  	_ =	shalt  }
0x80: {  	_ =	shalt  }
0x81: {  	_ =	shalt  }
0x82: {  	_ =	shalt  }
0x83: {  	_ =	shalt  }
0x84: {  	_ =	shalt  }
0x85: {  	_ =	shalt  }
0x86: {  	_ =	shalt  }
0x87: {  	_ =	shalt  }
.Lfunc_end0:
.L_simem_size_0:
called_computation_lowered:
.L_overlay_start_0:
0x88: {  	s2 =	sld [smem:$0x3FD9]  }
0x89: {  	s3 =	sld [smem:$0x3FFE];
	_ =	sdelay $0x1  }
0x8a: {  	s1 =	srdreg.scid  }
0x8b: {  	s0 =	sand.u32 $0x1, s1  }
0x8c: {  	s17 =	sshll.u32 s0, $0xA;
	s2 =	sadd.s32 s3, s2  }
0x8d: {  	s2 =	sadd.s32 s2, s17  }
0x8e: {  	[smem:$0x3FC6] =	sst s2  }
0x8f: {  	_ = 	snop  }
0x90: {  	s2 =	sld [smem:$0x3FD0];
	(tm) =	ssettm $0x1  }
0x91: {  	s18 =	sld [smem:$0x3FFB];
	_ =	sdelay $0x3  }
0x92: {  	_ =	strace s18  }
0x93: {  	s3 =	sld [smem:$0x3FFC];
	_ =	sdelay $0x3  }
0x94: {  	_ =	strace s3  }
0x95: {  	s3 =	sld [smem:$0x3FFD];
	_ =	sdelay $0x3  }
0x96: {  	_ =	strace s3  }
0x97: {  	_ =	strace $0x8FFFFFFF  }
0x98: {  	s19 =	sld [smem:$0x3FDB];
	_ =	sdelay $0x1  }
0x99: {  	s4 =	simm.s32 $_scs_section_size  }
0x9a: {  	s5 =	simm.s32 $_size__tile_overlayer_lowered;
	s6 =	simm.s32 $_tile_overlayer_lowered  }
0x9b: {  	s22 =	simm.s32 $0x1BFF;
	s21 =	sshll.u32 s6, $0x1;
	s3 =	sadd.s32 s4, s19  }
0x9c: {  	s7 =	simm.s32 $0x0;
	s20 =	sshll.u32 s5, $0x1;
	s5 =	sadd.s32 s21, s3  }
0x9d: {  	[timem:s7], [sflag:s22] =	dma.local [hbm:s5], s20  }
0x9e: {  	_ =	swait.ge [sflag:s22], s20  }
0x9f: {  	s4 =	ssub.s32 $0x0, s20;
	[sflag:s22] =	ssyncset.done $0x0  }
0xa0: {  	[sflag:s22] =	ssyncadd.s32 s4;
	_ =	sdelay $0x1  }
0xa1: {  	s23 =	simm.s32 $0x1B8B  }
0xa2: {  	_ =	swait.ge [sflag:s23], $0x1  }
0xa3: {  	[sflag:s23] =	ssyncset.done $0x0  }
0xa4: {  	s25 =	simm.s32 $0x1B8E;
	s24 =	sld [smem:$0x3FFE];
	[sflag:s23] =	ssyncadd.s32 $0xFFFFFFFF  }
0xa5: {  	s26 =	simm.s32 $execute0_lowered;
	[smem:$0x3FD2] =	sst s25  }
0xa6: {  	s5 =	sshll.u32 s26, $0x1;
	_ =	strace $0x80000046;
	[dreg:$0x1] =	wrdreg $0xFFFFFFFF  }
0xa7: {  	s28 =	simm.s32 $_size_execute0_lowered;
	s3 =	sadd.s32 s3, s5;
	[dreg:$0x0] =	wrdreg $0x0  }
0xa8: {  	s5 =	sshll.u32 s28, $0x1;
	[dreg:$0x2] =	wrdreg s3  }
0xa9: {  	[dreg:$0x3] =	wrdreg s5  }
0xaa: {  	[dreg:$0x4] =	wrdreg $0xC0  }
0xab: {  	_ =	task [dreg:s7], $0x5FFFF  }
0xac: {  	[dreg:$0x1] =	wrdreg $0xFFFFFFFF  }
0xad: {  	[dreg:$0x0] =	wrdreg $0x60  }
0xae: {  	[dreg:$0x2] =	wrdreg s24  }
0xaf: {  	[dreg:$0x3] =	wrdreg s2  }
0xb0: {  	[dreg:$0x4] =	wrdreg $0x9  }
0xb1: {  	_ =	task.clear_ibuf [dreg:s7], $0x5FFFF;
	_ =	strace $0x90000046  }
0xb2: {  	s29 =	simm.s32 $0x9;
	_ =	strace $0x80000048  }
0xb3: {  	_ =	swait.ge [sflag:s29], $0x1  }
0xb4: {  	[sflag:s29] =	ssyncadd.s32 $0xFFFFFFFF  }
0xb5: {  	_ =	strace $0x90000048  }
0xb6: {  	_ =	sfence  }
0xb7: {  	s30 =	sld [smem:$0x0];
	_ =	sdelay $0x2  }
0xb8: {  	s31 =	sshll.u32 s1, $0xD;
	s1 =	sshrl.u32 s1, $0x2  }
0xb9: {  	s3 =	sand.u32 $0x4000, s31;
	s1 =	sadd.s32 s1, s30  }
0xba: {  	s0 =	sor.u32 s3, s0;
	s1 =	sshll.u32 s1, $0x11  }
0xbb: {  	s0 =	sor.u32 s1, s0  }
0xbc: {  	s0 =	sadd.s32 $0x8F2B, s0  }
0xbd: {  	[sflag:s0] =	ssyncadd.remote.s32 $0x1  }
0xbe: {  	_ =	sfence.sel $0xFFFF  }
0xbf: {  	[dreg:$0x0] =	wrdreg $0xFFFFFFFF;
	(pc) =	sbr.abs _section_cstart, $3  }
0xc0: {  	[dreg:$0x1] =	wrdreg $0xFFFFFFFF  }
0xc1: {  	_ =	task.clear_ibuf [dreg:s7], $0x2FFFF;
	_ =	strace $0x9FFFFFFF  }
0xc2: {  	(tm) =	ssettm $0x7FFFFFFF  }
0xc3: {  	_ =	shalt  }
tec
execute0_lowered:
.L_overlay_start_1:
0x0: {  	(tag) =	ssettag $0x1  }
0x1: {  	s4 =	rddreg [dreg:$0x0];
	s1 =	srdreg.scid  }
0x2: {  	s0 =	stileid.u32;
	s5 =	rddreg [dreg:$0x1];
	s2 =	simm.s32 $0x0  }
0x3: {  	s13 =	simm.s32 $0xFA00;
	s14 =	simm.s32 $0x1;
	s15 =	simm.s32 $0x3  }
0x4: {  	s16 =	simm.s32 $0x2;
	s17 =	simm.s32 $0x4;
	s18 =	simm.s32 $0x0  }
0x5: {  	s6 =	sand.u32 $0x1, s1;
	s1 =	rddreg [dreg:$0x2];
	s10 =	smul.u32 $0x6400, s0  }
0x6: {  	s3 =	sshll.u32 s0, $0x1;
	[smem:$0x7FF] =	sst s2;
	s30 =	smul.u32 $0x64000, s0  }
0x7: {  	s9 =	sadd.s32 $0xF42E00, s4;
	s7 =	sor.u32 s6, s3;
	s12 =	smul.u32 $0x3200, s6  }
0x8: {  	_ =	strace $0x80000047;
	s26 =	ssub.s32 $0x2, s6;
	s8 =	smul.u32 $0x3200, s7  }
0x9: {  	s3 =	sadd.s32 $0xA00, s4;
	s7 =	smul.u32 $0x190000, s7;
	s11 =	sshrl.u32 s26, $0x1  }
0xa: {  	s31 =	smul.u32 $0x32000, s6;
	s11 =	ssub.s32 s26, s11;
	s29 =	sadd.s32 s12, s10  }
0xb: {  	s10 =	simm.s32 $0x5;
	s8 =	sshrl.u32 s8, $0x3;
	s28 =	sshrl.u32 s7, $0x3  }
0xc: {  	s12 =	simm.s32 $0x3200;
	s4 =	sadd.s32 s5, s8;
	s7 =	sadd.s32 s9, s28  }
0xd: {  	s8 =	sshll.u32 s29, $0x4;
	s5 =	sadd.s32 $0x2EE00, s7;
	s6 =	sadd.s32 $0x30700, s7  }
0xe: {  	s8 =	sadd.s32 s8, s9;
	s9 =	sadd.s32 s30, s9;
	s7 =	smax.u32 s11, $0x1  }
0xf: {  	s11 =	simm.s32 $0x190;
	s8 =	sadd.s32 $0x1900, s8;
	s9 =	sadd.s32 s31, s9  }
.LBB2_1:
0x10: {  	[tilespmem:s2], [sflag:$0x5] =	stream.linear.gather [hbm4b:s4+s2], $0x3200, $0x38;
	[tilespmem:$0x1C200] =	vst v63  }
0x11: {  	_ =	swait.ge [sflag:s10], $0x3200  }
0x12: {  	[sflag:s10] =	ssyncset.done $0x0  }
0x13: {  	[sflag:s10] =	ssyncadd.s32 $0xFFFFCE00  }
0x14: {  	[tilespmem:s12], [sflag:$0x1] =	stream.indirect.gather [hbm4b:s3+s11], $0x80, s2, s11, $0xb8;
	[tilespmem:$0x1C200] =	vst v63  }
0x15: {  	_ = 	snop  }
0x16: {  	[tilespmem:s13], [sflag:$0x2] =	stream.indirect.gather [hbm4b:s3+s11], $0x80, s11, s11, $0xb8;
	[tilespmem:$0x1C200] =	vst v63  }
0x17: {  	_ =	swait.ge [sflag:s14], $0xC800  }
0x18: {  	[sflag:s14] =	ssyncset.done $0x0  }
0x19: {  	s19 =	sadd.s32 $0x0, s9;
	[sflag:s14] =	ssyncadd.s32 $0xFFFF3800  }
0x1a: {  	[hbm4b:s19+s2] =	stream.linear.scatter [tilespmem:s12], [sflag:$0x3], $0xC800, $0x38;
	[tilespmem:$0x1C200] =	vst v63  }
0x1b: {  	_ =	swait.ge [sflag:s15], $0xC800  }
0x1c: {  	[sflag:s15] =	ssyncset.done $0x0  }
0x1d: {  	s30 =	simm.s32 $0x320;
	[sflag:s15] =	ssyncadd.s32 $0xFFFF3800  }
0x1e: {  	[tilespmem:s12], [sflag:$0x1] =	stream.indirect.gather [hbm4b:s3+s11], $0x80, s30, s11, $0xb8;
	[tilespmem:$0x1C200] =	vst v63  }
0x1f: {  	_ =	swait.ge [sflag:s16], $0xC800  }
0x20: {  	[sflag:s16] =	ssyncset.done $0x0  }
0x21: {  	s31 =	sadd.s32 $0x0, s8;
	[sflag:s16] =	ssyncadd.s32 $0xFFFF3800  }
0x22: {  	[hbm4b:s31+s2] =	stream.linear.scatter [tilespmem:s13], [sflag:$0x4], $0xC800, $0x38;
	[tilespmem:$0x1C200] =	vst v63  }
0x23: {  	_ =	swait.ge [sflag:s17], $0xC800  }
0x24: {  	s20 =	simm.s32 $0x3200;
	[sflag:s17] =	ssyncset.done $0x0  }
0x25: {  	s21 =	simm.s32 $0x7D0;
	s19 =	simm.s32 $0x4B0;
	[sflag:s17] =	ssyncadd.s32 $0xFFFF3800  }
.LBB2_2:
0x26: {  	[tilespmem:s13], [sflag:$0x2] =	stream.indirect.gather [hbm4b:s3+s11], $0x80, s19, s11, $0xb8;
	[tilespmem:$0x1C200] =	vst v63  }
0x27: {  	s22 =	smov.u32 s20;
	s19 =	smov.u32 s21  }
0x28: {  	p0 =	sne.s32 s20, $0x2BC00;
	s20 =	sadd.s32 $0x3200, s20;
	_ =	swait.ge [sflag:s14], $0xC800  }
0x29: {  	[sflag:s14] =	ssyncset.done $0x0  }
0x2a: {  	s23 =	sadd.s32 s22, s9;
	[sflag:s14] =	ssyncadd.s32 $0xFFFF3800  }
0x2b: {  	[hbm4b:s23+s2] =	stream.linear.scatter [tilespmem:s12], [sflag:$0x3], $0xC800, $0x38;
	[tilespmem:$0x1C200] =	vst v63  }
0x2c: {  	_ =	swait.ge [sflag:s15], $0xC800  }
0x2d: {  	[sflag:s15] =	ssyncset.done $0x0  }
0x2e: {  	s23 =	sadd.s32 $0xFFFFFE70, s21;
	[sflag:s15] =	ssyncadd.s32 $0xFFFF3800  }
0x2f: {  	[tilespmem:s12], [sflag:$0x1] =	stream.indirect.gather [hbm4b:s3+s11], $0x80, s23, s11, $0xb8;
	[tilespmem:$0x1C200] =	vst v63  }
0x30: {  	_ =	swait.ge [sflag:s16], $0xC800  }
0x31: {  	[sflag:s16] =	ssyncset.done $0x0  }
.Ltmp0:
0x32: {  	s22 =	sadd.s32 s22, s8;
	[sflag:s16] =	ssyncadd.s32 $0xFFFF3800;
	(pc) =	sbr.rel @p0 .LBB2_2-.Ltmp0, $4  }
0x33: {  	[hbm4b:s22+s2] =	stream.linear.scatter [tilespmem:s13], [sflag:$0x4], $0xC800, $0x38;
	[tilespmem:$0x1C200] =	vst v63  }
0x34: {  	_ =	swait.ge [sflag:s17], $0xC800  }
0x35: {  	[sflag:s17] =	ssyncset.done $0x0  }
0x36: {  	s21 =	sadd.s32 $0x320, s21;
	[sflag:s17] =	ssyncadd.s32 $0xFFFF3800  }
0x37: {  	[tilespmem:s13], [sflag:$0x2] =	stream.indirect.gather [hbm4b:s3+s11], $0x80, s19, s11, $0xb8;
	[tilespmem:$0x1C200] =	vst v63  }
0x38: {  	_ =	swait.ge [sflag:s14], $0xC800  }
0x39: {  	[sflag:s14] =	ssyncset.done $0x0  }
0x3a: {  	[sflag:s14] =	ssyncadd.s32 $0xFFFF3800  }
0x3b: {  	[hbm4b:s5+s2] =	stream.linear.scatter [tilespmem:s12], [sflag:$0x3], $0xC800, $0x38;
	[tilespmem:$0x1C200] =	vst v63  }
0x3c: {  	_ =	swait.ge [sflag:s15], $0xC800  }
0x3d: {  	[sflag:s15] =	ssyncset.done $0x0  }
0x3e: {  	[sflag:s15] =	ssyncadd.s32 $0xFFFF3800  }
0x3f: {  	s18 =	sadd.s32 $0x1, s18;
	_ =	swait.ge [sflag:s16], $0xC800  }
0x40: {  	p0 =	sne.s32 s18, s7;
	[sflag:s16] =	ssyncset.done $0x0  }
.Ltmp1:
0x41: {  	[sflag:s16] =	ssyncadd.s32 $0xFFFF3800;
	(pc) =	sbr.rel @p0 .LBB2_1-.Ltmp1, $4  }
0x42: {  	[hbm4b:s6+s2] =	stream.linear.scatter [tilespmem:s13], [sflag:$0x4], $0xC800, $0x38;
	[tilespmem:$0x1C200] =	vst v63  }
0x43: {  	_ =	swait.ge [sflag:s17], $0xC800  }
0x44: {  	[sflag:s17] =	ssyncset.done $0x0  }
0x45: {  	[sflag:s17] =	ssyncadd.s32 $0xFFFF3800  }
0x46: {  	_ =	sfence.sel $0x180000  }
0x47: {  	[bflag:$0x0] =	sbarrier.arrive $0xFFFF  }
0x48: {  	p0 =	sne.s32 s0, $0x0;
	_ =	strace $0x90000047  }
0x49: {  	s0 =	sadd.s32 @!p0 $0x100000, s1;
	[bflag:$0x2] =	sbarrier.arrive $0xFFFF  }
0x4a: {  	[sflag:s0] =	ssyncadd.tile.s32 @!p0 $0x1;
	_ =	shalt  }
.Lfunc_end2:
_tile_overlayer_lowered:
.L_overlay_start_2:
0x4b: {  	(tag) =	ssettag $0x2  }
0x4c: {  	s0 =	rddreg [dreg:$0x0];
	s2 =	stileid.u32  }
0x4d: {  	s1 =	rddreg [dreg:$0x1];
	p0 =	sne.s32 s2, $0x0  }
0x4e: {  	s3 =	rddreg [dreg:$0x2];
	[bflag:$0x3] =	sbarrier.arrive $0xFFFF;
	s2 =	simm.s32 @!p0 $0x1C05  }
0x4f: {  	[timem:s3], [sflag:s2] =	dma.local @!p0 [hbm:s0], s1  }
0x50: {  	s0 =	simm.s32 @!p0 $0x5  }
0x51: {  	_ =	swait.ge @!p0 [sflag:s0], s1  }
0x52: {  	s1 =	ssub.s32 @!p0 $0x0, s1;
	[sflag:s0] =	ssyncset.done @!p0 $0x0  }
0x53: {  	[sflag:s0] =	ssyncadd.s32 @!p0 s1  }
0x54: {  	[bflag:$0x3] =	sbarrier.arrive $0xFFFF  }
0x55: {  	_ =	shalt  }

</sc_bundles>
